<compile_context>
chip_gen: v7x
topology: tpu7x:2x2x1
jax: 0.10.2.dev20260603
libtpu: 0.0.44.dev20260713+nightly
codegen_flags: <defaults>
</compile_context>

<pallas_src>
import functools

import jax
import jax.numpy as jnp
from jax import lax
from jax.experimental import pallas as pl
from jax.experimental.pallas import tpu as pltpu
from jax.experimental.pallas import tpu_sc as plsc

ZCH0 = 16
ZCH1 = 32
EMBED = 64
BATCH = 4096
HIST = 20

NC = 2
NS = 16
LANES = 16
NW = NC * NS
ROWS = BATCH // NW
CHUNK = ROWS * HIST
VECS = CHUNK // LANES

_SC_MESH = plsc.VectorSubcoreMesh(core_axis_name="c", subcore_axis_name="s")


@functools.partial(
    pl.kernel,
    out_type=jax.ShapeDtypeStruct((NW, LANES), jnp.float32),
    mesh=_SC_MESH,
    scratch_types=[
        pltpu.VMEM((ROWS, HIST), jnp.int32),
        pltpu.VMEM((ZCH1, EMBED), jnp.float32),
        pltpu.VMEM((ZCH1,), jnp.float32),
        pltpu.VMEM((LANES,), jnp.float32),
        pltpu.SemaphoreType.DMA,
        pltpu.SemaphoreType.DMA,
    ],
    compiler_params=pltpu.CompilerParams(
        needs_layout_passes=False, use_tc_tiling_on_sc=True),
)
def _sc_partials(w1_hbm, ids1_hbm, out_hbm,
                 ids1_v, w1_v, rs1_v, acc_v, sem_i, sem_w):
    wid = lax.axis_index("s") * NC + lax.axis_index("c")
    cp1 = pltpu.async_copy(
        ids1_hbm.at[pl.ds(wid * ROWS, ROWS), :], ids1_v, sem_i)
    cpw = pltpu.async_copy(w1_hbm, w1_v, sem_w)

    lane = lax.iota(jnp.int32, LANES)
    cpw.wait()

    def rowsums(row0):
        rows = lane + row0
        parts = [jnp.zeros((LANES,), jnp.float32) for _ in range(4)]
        for dcol in range(EMBED):
            col = jnp.full((LANES,), dcol, jnp.int32)
            parts[dcol % 4] = parts[dcol % 4] + plsc.load_gather(
                w1_v, [rows, col])
        return (parts[0] + parts[1]) + (parts[2] + parts[3])

    rs1_v[pl.ds(0, LANES)] = rowsums(0)
    rs1_v[pl.ds(LANES, LANES)] = rowsums(LANES)

    UNROLL = 8
    NACC = 4

    def body(i, carry):
        r, c = carry[0], carry[1]
        accs = list(carry[2:])
        for u in range(UNROLL):
            ids = plsc.load_gather(ids1_v, [r, c])
            accs[u % NACC] = accs[u % NACC] + plsc.load_gather(
                rs1_v, [lax.bitwise_and(ids, ZCH1 - 1)])
            c = c + LANES
            wrap = c >= HIST
            c = jnp.where(wrap, c - HIST, c)
            r = jnp.where(wrap, r + 1, r)
        return (r, c) + tuple(accs)

    zero = jnp.zeros((LANES,), jnp.float32)
    init = (jnp.zeros((LANES,), jnp.int32), lane) + (zero,) * NACC
    cp1.wait()
    out = lax.fori_loop(0, VECS // UNROLL, body, init)
    accs = out[2:]
    acc_v[...] = (accs[0] + accs[1]) + (accs[2] + accs[3])
    pltpu.sync_copy(acc_v, out_hbm.at[wid])


_POOL0_BLOCKS = 8
_BLK = BATCH // _POOL0_BLOCKS


def _tc_pool0(ids_0, W0):
    CH = 32

    def body(ids_ref, w_ref, o_ref):
        rs = jnp.sum(w_ref[...], axis=1)
        iota = lax.broadcasted_iota(jnp.int32, (ZCH0,), 0)
        vals = [jnp.sum(jnp.where(iota == r, rs, 0.0)) for r in range(ZCH0)]

        def step(i, acc):
            ids = ids_ref[pl.ds(i * CH, CH), :]
            bits = [lax.bitwise_and(ids, 1 << k) != 0 for k in range(4)]
            level = vals
            for k in range(4):
                level = [jnp.where(bits[k], level[2 * j + 1], level[2 * j])
                         for j in range(len(level) // 2)]
            return acc + level[0]

        acc = lax.fori_loop(0, BATCH // CH, step,
                            jnp.zeros((CH, HIST), jnp.float32))
        o_ref[0, 0] = jnp.sum(acc)

    return pl.pallas_call(
        body,
        out_shape=jax.ShapeDtypeStruct((1, 1), jnp.float32),
        out_specs=pl.BlockSpec(memory_space=pltpu.SMEM),
    )(ids_0, W0)


def _tc_finish(partials, p0):
    def body(p_ref, s_ref, o_ref):
        o_ref[0, 0] = (jnp.sum(p_ref[...]) + s_ref[0, 0]) * (
            1.0 / (BATCH * 2 * EMBED))

    return pl.pallas_call(
        body,
        out_shape=jax.ShapeDtypeStruct((1, 1), jnp.float32),
        in_specs=[
            pl.BlockSpec(memory_space=pltpu.VMEM),
            pl.BlockSpec(memory_space=pltpu.SMEM),
        ],
        out_specs=pl.BlockSpec(memory_space=pltpu.SMEM),
    )(partials, p0)


def kernel(ids_0, ids_1, W0, W1):
    partials = _sc_partials(W1, ids_1)
    p0 = _tc_pool0(ids_0, W0)
    return _tc_finish(partials, p0)[0, 0]

# --- scband reference (transcript-rebuilt; emitter-appended) ---
"""Pipeline reference for scband-sparse-arch-55173149884529 (READ-ONLY COPY).

The authoritative reference and input builder live on the scoring server;
editing this copy changes nothing except your own understanding.
"""

import jax, jax.numpy as jnp
import numpy as np

ZCH_0 = 16
ZCH_1 = 32
INPUT_HASH = 4000
EMBED_DIM = 64
BATCH = 4096
HIST = 20

def setup_inputs(seed: int = 0) -> dict:
    key = jax.random.key(seed)
    k0, k1, k2, k3 = jax.random.split(key, 4)
    ids_0 = jax.random.randint(k0, (BATCH, HIST), 0, INPUT_HASH, dtype=jnp.int64 if jax.config.jax_enable_x64 else jnp.int32).astype(jnp.int32)
    ids_1 = jax.random.randint(k1, (BATCH, HIST), 0, INPUT_HASH, dtype=jnp.int64 if jax.config.jax_enable_x64 else jnp.int32).astype(jnp.int32)
    W0 = jax.random.normal(k2, (ZCH_0, EMBED_DIM), dtype=jnp.float32)
    W1 = jax.random.normal(k3, (ZCH_1, EMBED_DIM), dtype=jnp.float32)
    return {"ids_0": ids_0, "ids_1": ids_1, "W0": W0, "W1": W1}

def reference(ids_0, ids_1, W0, W1):
    # Managed collision remap: raw ids in [0, input_hash_size) are remapped into
    # the small zch id space (identity-hash collision handling, as in
    # MCHManagedCollisionModule with mch_hash_func id % hash_size).
    remapped_0 = jnp.mod(ids_0, ZCH_0)
    remapped_1 = jnp.mod(ids_1, ZCH_1)
    # EmbeddingBag with sum pooling over the jagged (here rectangular) dimension.
    pooled_0 = jnp.take(W0, remapped_0, axis=0).sum(axis=1)  # [B, D]
    pooled_1 = jnp.take(W1, remapped_1, axis=0).sum(axis=1)  # [B, D]
    pred = jnp.concatenate([pooled_0, pooled_1], axis=1)  # [B, 2D]
    loss = pred.mean()
    return loss

if __name__ == "__main__":
    import jax
    _d = setup_inputs()
    print(jax.jit(kernel)(*tuple(_d.values())))

</pallas_src>

<mosaic_0001>
#map = affine_map<(d0, d1) -> (0, 0)>
module attributes {stable_mosaic.version = 14 : i64} {
  func.func @_sc_partials(%arg0: i32, %arg1: i32, %arg2: memref<32x64xf32, #tpu.memory_space<hbm>>, %arg3: memref<4096x20xi32, #tpu.memory_space<hbm>>, %arg4: memref<32x16xf32, #tpu.memory_space<hbm>>, %arg5: memref<128x20xi32, #tpu.memory_space<vmem>>, %arg6: memref<32x64xf32, #tpu.memory_space<vmem>>, %arg7: memref<32xf32, #tpu.memory_space<vmem>>, %arg8: memref<16xf32, #tpu.memory_space<vmem>>, %arg9: memref<!tpu.dma_semaphore, #tpu.memory_space<semaphore_mem>>, %arg10: memref<!tpu.dma_semaphore, #tpu.memory_space<semaphore_mem>>) attributes {dimension_semantics = [#tpu.dimension_semantics<core_parallel>, #tpu.dimension_semantics<subcore_parallel>], iteration_bounds = array<i64: 2, 16>, scalar_prefetch = 0 : i64, scratch_operands = 6 : i64, tpu.core_type = #tpu.core_type<sc_vector_subcore>, window_params = [{transform_indices = #map}, {transform_indices = #map}, {transform_indices = #map}]} {
    %mul3A = arith.constant 2 : i32
    %mul3A_0 = arith.muli %arg1, %mul3A : i32
    %add3A = arith.addi %mul3A_0, %arg0 : i32
    %mul3A_1 = arith.constant 128 : i32
    %mul3A_2 = arith.muli %add3A, %mul3A_1 : i32
    %dma_start3A = arith.constant 0 : i32
    %dma_start3A_3 = tpu.memref_slice %arg3[%mul3A_2, %dma_start3A] : memref<4096x20xi32, #tpu.memory_space<hbm>> -> memref<128x20xi32, #tpu.memory_space<hbm>>
    %dma_start3A_4 = arith.constant 0 : i32
    %dma_start3A_5 = tpu.memref_slice %arg3[%mul3A_2, %dma_start3A_4] : memref<4096x20xi32, #tpu.memory_space<hbm>> -> memref<128x20xi32, #tpu.memory_space<hbm>>
    tpu.enqueue_dma source(%dma_start3A_5 : memref<128x20xi32, #tpu.memory_space<hbm>>) target(%arg5 : memref<128x20xi32, #tpu.memory_space<vmem>>) target_semaphore(%arg9 : memref<!tpu.dma_semaphore, #tpu.memory_space<semaphore_mem>>)
    tpu.enqueue_dma source(%arg2 : memref<32x64xf32, #tpu.memory_space<hbm>>) target(%arg6 : memref<32x64xf32, #tpu.memory_space<vmem>>) target_semaphore(%arg10 : memref<!tpu.dma_semaphore, #tpu.memory_space<semaphore_mem>>)
    %iota3A = tpu.iota {dimensions = array<i32: 0>} : vector<16xi32>
    tpu.wait_dma2 semaphore(%arg10 : memref<!tpu.dma_semaphore, #tpu.memory_space<semaphore_mem>>) src(%arg2 : memref<32x64xf32, #tpu.memory_space<hbm>>) dst(%arg6 : memref<32x64xf32, #tpu.memory_space<vmem>>)
    %add3A_6 = arith.constant 0 : i32
    %add3A_7 = vector.broadcast %add3A_6 : i32 to vector<16xi32>
    %add3A_8 = arith.addi %iota3A, %add3A_7 : vector<16xi32>
    %broadcast_in_dim3A = arith.constant 0.000000e+00 : f32
    %broadcast_in_dim3A_9 = vector.broadcast %broadcast_in_dim3A : f32 to vector<16xf32>
    %broadcast_in_dim3A_10 = arith.constant 0.000000e+00 : f32
    %broadcast_in_dim3A_11 = vector.broadcast %broadcast_in_dim3A_10 : f32 to vector<16xf32>
    %broadcast_in_dim3A_12 = arith.constant 0.000000e+00 : f32
    %broadcast_in_dim3A_13 = vector.broadcast %broadcast_in_dim3A_12 : f32 to vector<16xf32>
    %broadcast_in_dim3A_14 = arith.constant 0.000000e+00 : f32
    %broadcast_in_dim3A_15 = vector.broadcast %broadcast_in_dim3A_14 : f32 to vector<16xf32>
    %broadcast_in_dim3A_16 = arith.constant 0 : i32
    %broadcast_in_dim3A_17 = vector.broadcast %broadcast_in_dim3A_16 : i32 to vector<16xi32>
    %gather3A = tpu.vector_load_idx %arg6[%add3A_8, %broadcast_in_dim3A_17] : memref<32x64xf32, #tpu.memory_space<vmem>>[vector<16xi32>, vector<16xi32>], vector<16xf32>,
    %add3A_18 = arith.addf %broadcast_in_dim3A_9, %gather3A : vector<16xf32>
    %broadcast_in_dim3A_19 = arith.constant 1 : i32
    %broadcast_in_dim3A_20 = vector.broadcast %broadcast_in_dim3A_19 : i32 to vector<16xi32>
    %gather3A_21 = tpu.vector_load_idx %arg6[%add3A_8, %broadcast_in_dim3A_20] : memref<32x64xf32, #tpu.memory_space<vmem>>[vector<16xi32>, vector<16xi32>], vector<16xf32>,
    %add3A_22 = arith.addf %broadcast_in_dim3A_11, %gather3A_21 : vector<16xf32>
    %broadcast_in_dim3A_23 = arith.constant 2 : i32
    %broadcast_in_dim3A_24 = vector.broadcast %broadcast_in_dim3A_23 : i32 to vector<16xi32>
    %gather3A_25 = tpu.vector_load_idx %arg6[%add3A_8, %broadcast_in_dim3A_24] : memref<32x64xf32, #tpu.memory_space<vmem>>[vector<16xi32>, vector<16xi32>], vector<16xf32>,
    %add3A_26 = arith.addf %broadcast_in_dim3A_13, %gather3A_25 : vector<16xf32>
    %broadcast_in_dim3A_27 = arith.constant 3 : i32
    %broadcast_in_dim3A_28 = vector.broadcast %broadcast_in_dim3A_27 : i32 to vector<16xi32>
    %gather3A_29 = tpu.vector_load_idx %arg6[%add3A_8, %broadcast_in_dim3A_28] : memref<32x64xf32, #tpu.memory_space<vmem>>[vector<16xi32>, vector<16xi32>], vector<16xf32>,
    %add3A_30 = arith.addf %broadcast_in_dim3A_15, %gather3A_29 : vector<16xf32>
    %broadcast_in_dim3A_31 = arith.constant 4 : i32
    %broadcast_in_dim3A_32 = vector.broadcast %broadcast_in_dim3A_31 : i32 to vector<16xi32>
    %gather3A_33 = tpu.vector_load_idx %arg6[%add3A_8, %broadcast_in_dim3A_32] : memref<32x64xf32, #tpu.memory_space<vmem>>[vector<16xi32>, vector<16xi32>], vector<16xf32>,
    %add3A_34 = arith.addf %add3A_18, %gather3A_33 : vector<16xf32>
    %broadcast_in_dim3A_35 = arith.constant 5 : i32
    %broadcast_in_dim3A_36 = vector.broadcast %broadcast_in_dim3A_35 : i32 to vector<16xi32>
    %gather3A_37 = tpu.vector_load_idx %arg6[%add3A_8, %broadcast_in_dim3A_36] : memref<32x64xf32, #tpu.memory_space<vmem>>[vector<16xi32>, vector<16xi32>], vector<16xf32>,
    %add3A_38 = arith.addf %add3A_22, %gather3A_37 : vector<16xf32>
    %broadcast_in_dim3A_39 = arith.constant 6 : i32
    %broadcast_in_dim3A_40 = vector.broadcast %broadcast_in_dim3A_39 : i32 to vector<16xi32>
    %gather3A_41 = tpu.vector_load_idx %arg6[%add3A_8, %broadcast_in_dim3A_40] : memref<32x64xf32, #tpu.memory_space<vmem>>[vector<16xi32>, vector<16xi32>], vector<16xf32>,
    %add3A_42 = arith.addf %add3A_26, %gather3A_41 : vector<16xf32>
    %broadcast_in_dim3A_43 = arith.constant 7 : i32
    %broadcast_in_dim3A_44 = vector.broadcast %broadcast_in_dim3A_43 : i32 to vector<16xi32>
    %gather3A_45 = tpu.vector_load_idx %arg6[%add3A_8, %broadcast_in_dim3A_44] : memref<32x64xf32, #tpu.memory_space<vmem>>[vector<16xi32>, vector<16xi32>], vector<16xf32>,
    %add3A_46 = arith.addf %add3A_30, %gather3A_45 : vector<16xf32>
    %broadcast_in_dim3A_47 = arith.constant 8 : i32
    %broadcast_in_dim3A_48 = vector.broadcast %broadcast_in_dim3A_47 : i32 to vector<16xi32>
    %gather3A_49 = tpu.vector_load_idx %arg6[%add3A_8, %broadcast_in_dim3A_48] : memref<32x64xf32, #tpu.memory_space<vmem>>[vector<16xi32>, vector<16xi32>], vector<16xf32>,
    %add3A_50 = arith.addf %add3A_34, %gather3A_49 : vector<16xf32>
    %broadcast_in_dim3A_51 = arith.constant 9 : i32
    %broadcast_in_dim3A_52 = vector.broadcast %broadcast_in_dim3A_51 : i32 to vector<16xi32>
    %gather3A_53 = tpu.vector_load_idx %arg6[%add3A_8, %broadcast_in_dim3A_52] : memref<32x64xf32, #tpu.memory_space<vmem>>[vector<16xi32>, vector<16xi32>], vector<16xf32>,
    %add3A_54 = arith.addf %add3A_38, %gather3A_53 : vector<16xf32>
    %broadcast_in_dim3A_55 = arith.constant 10 : i32
    %broadcast_in_dim3A_56 = vector.broadcast %broadcast_in_dim3A_55 : i32 to vector<16xi32>
    %gather3A_57 = tpu.vector_load_idx %arg6[%add3A_8, %broadcast_in_dim3A_56] : memref<32x64xf32, #tpu.memory_space<vmem>>[vector<16xi32>, vector<16xi32>], vector<16xf32>,
    %add3A_58 = arith.addf %add3A_42, %gather3A_57 : vector<16xf32>
    %broadcast_in_dim3A_59 = arith.constant 11 : i32
    %broadcast_in_dim3A_60 = vector.broadcast %broadcast_in_dim3A_59 : i32 to vector<16xi32>
    %gather3A_61 = tpu.vector_load_idx %arg6[%add3A_8, %broadcast_in_dim3A_60] : memref<32x64xf32, #tpu.memory_space<vmem>>[vector<16xi32>, vector<16xi32>], vector<16xf32>,
    %add3A_62 = arith.addf %add3A_46, %gather3A_61 : vector<16xf32>
    %broadcast_in_dim3A_63 = arith.constant 12 : i32
    %broadcast_in_dim3A_64 = vector.broadcast %broadcast_in_dim3A_63 : i32 to vector<16xi32>
    %gather3A_65 = tpu.vector_load_idx %arg6[%add3A_8, %broadcast_in_dim3A_64] : memref<32x64xf32, #tpu.memory_space<vmem>>[vector<16xi32>, vector<16xi32>], vector<16xf32>,
    %add3A_66 = arith.addf %add3A_50, %gather3A_65 : vector<16xf32>
    %broadcast_in_dim3A_67 = arith.constant 13 : i32
    %broadcast_in_dim3A_68 = vector.broadcast %broadcast_in_dim3A_67 : i32 to vector<16xi32>
    %gather3A_69 = tpu.vector_load_idx %arg6[%add3A_8, %broadcast_in_dim3A_68] : memref<32x64xf32, #tpu.memory_space<vmem>>[vector<16xi32>, vector<16xi32>], vector<16xf32>,
    %add3A_70 = arith.addf %add3A_54, %gather3A_69 : vector<16xf32>
    %broadcast_in_dim3A_71 = arith.constant 14 : i32
    %broadcast_in_dim3A_72 = vector.broadcast %broadcast_in_dim3A_71 : i32 to vector<16xi32>
    %gather3A_73 = tpu.vector_load_idx %arg6[%add3A_8, %broadcast_in_dim3A_72] : memref<32x64xf32, #tpu.memory_space<vmem>>[vector<16xi32>, vector<16xi32>], vector<16xf32>,
    %add3A_74 = arith.addf %add3A_58, %gather3A_73 : vector<16xf32>
    %broadcast_in_dim3A_75 = arith.constant 15 : i32
    %broadcast_in_dim3A_76 = vector.broadcast %broadcast_in_dim3A_75 : i32 to vector<16xi32>
    %gather3A_77 = tpu.vector_load_idx %arg6[%add3A_8, %broadcast_in_dim3A_76] : memref<32x64xf32, #tpu.memory_space<vmem>>[vector<16xi32>, vector<16xi32>], vector<16xf32>,
    %add3A_78 = arith.addf %add3A_62, %gather3A_77 : vector<16xf32>
    %broadcast_in_dim3A_79 = arith.constant 16 : i32
    %broadcast_in_dim3A_80 = vector.broadcast %broadcast_in_dim3A_79 : i32 to vector<16xi32>
    %gather3A_81 = tpu.vector_load_idx %arg6[%add3A_8, %broadcast_in_dim3A_80] : memref<32x64xf32, #tpu.memory_space<vmem>>[vector<16xi32>, vector<16xi32>], vector<16xf32>,
    %add3A_82 = arith.addf %add3A_66, %gather3A_81 : vector<16xf32>
    %broadcast_in_dim3A_83 = arith.constant 17 : i32
    %broadcast_in_dim3A_84 = vector.broadcast %broadcast_in_dim3A_83 : i32 to vector<16xi32>
    %gather3A_85 = tpu.vector_load_idx %arg6[%add3A_8, %broadcast_in_dim3A_84] : memref<32x64xf32, #tpu.memory_space<vmem>>[vector<16xi32>, vector<16xi32>], vector<16xf32>,
    %add3A_86 = arith.addf %add3A_70, %gather3A_85 : vector<16xf32>
    %broadcast_in_dim3A_87 = arith.constant 18 : i32
    %broadcast_in_dim3A_88 = vector.broadcast %broadcast_in_dim3A_87 : i32 to vector<16xi32>
    %gather3A_89 = tpu.vector_load_idx %arg6[%add3A_8, %broadcast_in_dim3A_88] : memref<32x64xf32, #tpu.memory_space<vmem>>[vector<16xi32>, vector<16xi32>], vector<16xf32>,
    %add3A_90 = arith.addf %add3A_74, %gather3A_89 : vector<16xf32>
    %broadcast_in_dim3A_91 = arith.constant 19 : i32
    %broadcast_in_dim3A_92 = vector.broadcast %broadcast_in_dim3A_91 : i32 to vector<16xi32>
    %gather3A_93 = tpu.vector_load_idx %arg6[%add3A_8, %broadcast_in_dim3A_92] : memref<32x64xf32, #tpu.memory_space<vmem>>[vector<16xi32>, vector<16xi32>], vector<16xf32>,
    %add3A_94 = arith.addf %add3A_78, %gather3A_93 : vector<16xf32>
    %broadcast_in_dim3A_95 = arith.constant 20 : i32
    %broadcast_in_dim3A_96 = vector.broadcast %broadcast_in_dim3A_95 : i32 to vector<16xi32>
    %gather3A_97 = tpu.vector_load_idx %arg6[%add3A_8, %broadcast_in_dim3A_96] : memref<32x64xf32, #tpu.memory_space<vmem>>[vector<16xi32>, vector<16xi32>], vector<16xf32>,
    %add3A_98 = arith.addf %add3A_82, %gather3A_97 : vector<16xf32>
    %broadcast_in_dim3A_99 = arith.constant 21 : i32
    %broadcast_in_dim3A_100 = vector.broadcast %broadcast_in_dim3A_99 : i32 to vector<16xi32>
    %gather3A_101 = tpu.vector_load_idx %arg6[%add3A_8, %broadcast_in_dim3A_100] : memref<32x64xf32, #tpu.memory_space<vmem>>[vector<16xi32>, vector<16xi32>], vector<16xf32>,
    %add3A_102 = arith.addf %add3A_86, %gather3A_101 : vector<16xf32>
    %broadcast_in_dim3A_103 = arith.constant 22 : i32
    %broadcast_in_dim3A_104 = vector.broadcast %broadcast_in_dim3A_103 : i32 to vector<16xi32>
    %gather3A_105 = tpu.vector_load_idx %arg6[%add3A_8, %broadcast_in_dim3A_104] : memref<32x64xf32, #tpu.memory_space<vmem>>[vector<16xi32>, vector<16xi32>], vector<16xf32>,
    %add3A_106 = arith.addf %add3A_90, %gather3A_105 : vector<16xf32>
    %broadcast_in_dim3A_107 = arith.constant 23 : i32
    %broadcast_in_dim3A_108 = vector.broadcast %broadcast_in_dim3A_107 : i32 to vector<16xi32>
    %gather3A_109 = tpu.vector_load_idx %arg6[%add3A_8, %broadcast_in_dim3A_108] : memref<32x64xf32, #tpu.memory_space<vmem>>[vector<16xi32>, vector<16xi32>], vector<16xf32>,
    %add3A_110 = arith.addf %add3A_94, %gather3A_109 : vector<16xf32>
    %broadcast_in_dim3A_111 = arith.constant 24 : i32
    %broadcast_in_dim3A_112 = vector.broadcast %broadcast_in_dim3A_111 : i32 to vector<16xi32>
    %gather3A_113 = tpu.vector_load_idx %arg6[%add3A_8, %broadcast_in_dim3A_112] : memref<32x64xf32, #tpu.memory_space<vmem>>[vector<16xi32>, vector<16xi32>], vector<16xf32>,
    %add3A_114 = arith.addf %add3A_98, %gather3A_113 : vector<16xf32>
    %broadcast_in_dim3A_115 = arith.constant 25 : i32
    %broadcast_in_dim3A_116 = vector.broadcast %broadcast_in_dim3A_115 : i32 to vector<16xi32>
    %gather3A_117 = tpu.vector_load_idx %arg6[%add3A_8, %broadcast_in_dim3A_116] : memref<32x64xf32, #tpu.memory_space<vmem>>[vector<16xi32>, vector<16xi32>], vector<16xf32>,
    %add3A_118 = arith.addf %add3A_102, %gather3A_117 : vector<16xf32>
    %broadcast_in_dim3A_119 = arith.constant 26 : i32
    %broadcast_in_dim3A_120 = vector.broadcast %broadcast_in_dim3A_119 : i32 to vector<16xi32>
    %gather3A_121 = tpu.vector_load_idx %arg6[%add3A_8, %broadcast_in_dim3A_120] : memref<32x64xf32, #tpu.memory_space<vmem>>[vector<16xi32>, vector<16xi32>], vector<16xf32>,
    %add3A_122 = arith.addf %add3A_106, %gather3A_121 : vector<16xf32>
    %broadcast_in_dim3A_123 = arith.constant 27 : i32
    %broadcast_in_dim3A_124 = vector.broadcast %broadcast_in_dim3A_123 : i32 to vector<16xi32>
    %gather3A_125 = tpu.vector_load_idx %arg6[%add3A_8, %broadcast_in_dim3A_124] : memref<32x64xf32, #tpu.memory_space<vmem>>[vector<16xi32>, vector<16xi32>], vector<16xf32>,
    %add3A_126 = arith.addf %add3A_110, %gather3A_125 : vector<16xf32>
    %broadcast_in_dim3A_127 = arith.constant 28 : i32
    %broadcast_in_dim3A_128 = vector.broadcast %broadcast_in_dim3A_127 : i32 to vector<16xi32>
    %gather3A_129 = tpu.vector_load_idx %arg6[%add3A_8, %broadcast_in_dim3A_128] : memref<32x64xf32, #tpu.memory_space<vmem>>[vector<16xi32>, vector<16xi32>], vector<16xf32>,
    %add3A_130 = arith.addf %add3A_114, %gather3A_129 : vector<16xf32>
    %broadcast_in_dim3A_131 = arith.constant 29 : i32
    %broadcast_in_dim3A_132 = vector.broadcast %broadcast_in_dim3A_131 : i32 to vector<16xi32>
    %gather3A_133 = tpu.vector_load_idx %arg6[%add3A_8, %broadcast_in_dim3A_132] : memref<32x64xf32, #tpu.memory_space<vmem>>[vector<16xi32>, vector<16xi32>], vector<16xf32>,
    %add3A_134 = arith.addf %add3A_118, %gather3A_133 : vector<16xf32>
    %broadcast_in_dim3A_135 = arith.constant 30 : i32
    %broadcast_in_dim3A_136 = vector.broadcast %broadcast_in_dim3A_135 : i32 to vector<16xi32>
    %gather3A_137 = tpu.vector_load_idx %arg6[%add3A_8, %broadcast_in_dim3A_136] : memref<32x64xf32, #tpu.memory_space<vmem>>[vector<16xi32>, vector<16xi32>], vector<16xf32>,
    %add3A_138 = arith.addf %add3A_122, %gather3A_137 : vector<16xf32>
    %broadcast_in_dim3A_139 = arith.constant 31 : i32
    %broadcast_in_dim3A_140 = vector.broadcast %broadcast_in_dim3A_139 : i32 to vector<16xi32>
    %gather3A_141 = tpu.vector_load_idx %arg6[%add3A_8, %broadcast_in_dim3A_140] : memref<32x64xf32, #tpu.memory_space<vmem>>[vector<16xi32>, vector<16xi32>], vector<16xf32>,
    %add3A_142 = arith.addf %add3A_126, %gather3A_141 : vector<16xf32>
    %broadcast_in_dim3A_143 = arith.constant 32 : i32
    %broadcast_in_dim3A_144 = vector.broadcast %broadcast_in_dim3A_143 : i32 to vector<16xi32>
    %gather3A_145 = tpu.vector_load_idx %arg6[%add3A_8, %broadcast_in_dim3A_144] : memref<32x64xf32, #tpu.memory_space<vmem>>[vector<16xi32>, vector<16xi32>], vector<16xf32>,
    %add3A_146 = arith.addf %add3A_130, %gather3A_145 : vector<16xf32>
    %broadcast_in_dim3A_147 = arith.constant 33 : i32
    %broadcast_in_dim3A_148 = vector.broadcast %broadcast_in_dim3A_147 : i32 to vector<16xi32>
    %gather3A_149 = tpu.vector_load_idx %arg6[%add3A_8, %broadcast_in_dim3A_148] : memref<32x64xf32, #tpu.memory_space<vmem>>[vector<16xi32>, vector<16xi32>], vector<16xf32>,
    %add3A_150 = arith.addf %add3A_134, %gather3A_149 : vector<16xf32>
    %broadcast_in_dim3A_151 = arith.constant 34 : i32
    %broadcast_in_dim3A_152 = vector.broadcast %broadcast_in_dim3A_151 : i32 to vector<16xi32>
    %gather3A_153 = tpu.vector_load_idx %arg6[%add3A_8, %broadcast_in_dim3A_152] : memref<32x64xf32, #tpu.memory_space<vmem>>[vector<16xi32>, vector<16xi32>], vector<16xf32>,
    %add3A_154 = arith.addf %add3A_138, %gather3A_153 : vector<16xf32>
    %broadcast_in_dim3A_155 = arith.constant 35 : i32
    %broadcast_in_dim3A_156 = vector.broadcast %broadcast_in_dim3A_155 : i32 to vector<16xi32>
    %gather3A_157 = tpu.vector_load_idx %arg6[%add3A_8, %broadcast_in_dim3A_156] : memref<32x64xf32, #tpu.memory_space<vmem>>[vector<16xi32>, vector<16xi32>], vector<16xf32>,
    %add3A_158 = arith.addf %add3A_142, %gather3A_157 : vector<16xf32>
    %broadcast_in_dim3A_159 = arith.constant 36 : i32
    %broadcast_in_dim3A_160 = vector.broadcast %broadcast_in_dim3A_159 : i32 to vector<16xi32>
    %gather3A_161 = tpu.vector_load_idx %arg6[%add3A_8, %broadcast_in_dim3A_160] : memref<32x64xf32, #tpu.memory_space<vmem>>[vector<16xi32>, vector<16xi32>], vector<16xf32>,
    %add3A_162 = arith.addf %add3A_146, %gather3A_161 : vector<16xf32>
    %broadcast_in_dim3A_163 = arith.constant 37 : i32
    %broadcast_in_dim3A_164 = vector.broadcast %broadcast_in_dim3A_163 : i32 to vector<16xi32>
    %gather3A_165 = tpu.vector_load_idx %arg6[%add3A_8, %broadcast_in_dim3A_164] : memref<32x64xf32, #tpu.memory_space<vmem>>[vector<16xi32>, vector<16xi32>], vector<16xf32>,
    %add3A_166 = arith.addf %add3A_150, %gather3A_165 : vector<16xf32>
    %broadcast_in_dim3A_167 = arith.constant 38 : i32
    %broadcast_in_dim3A_168 = vector.broadcast %broadcast_in_dim3A_167 : i32 to vector<16xi32>
    %gather3A_169 = tpu.vector_load_idx %arg6[%add3A_8, %broadcast_in_dim3A_168] : memref<32x64xf32, #tpu.memory_space<vmem>>[vector<16xi32>, vector<16xi32>], vector<16xf32>,
    %add3A_170 = arith.addf %add3A_154, %gather3A_169 : vector<16xf32>
    %broadcast_in_dim3A_171 = arith.constant 39 : i32
    %broadcast_in_dim3A_172 = vector.broadcast %broadcast_in_dim3A_171 : i32 to vector<16xi32>
    %gather3A_173 = tpu.vector_load_idx %arg6[%add3A_8, %broadcast_in_dim3A_172] : memref<32x64xf32, #tpu.memory_space<vmem>>[vector<16xi32>, vector<16xi32>], vector<16xf32>,
    %add3A_174 = arith.addf %add3A_158, %gather3A_173 : vector<16xf32>
    %broadcast_in_dim3A_175 = arith.constant 40 : i32
    %broadcast_in_dim3A_176 = vector.broadcast %broadcast_in_dim3A_175 : i32 to vector<16xi32>
    %gather3A_177 = tpu.vector_load_idx %arg6[%add3A_8, %broadcast_in_dim3A_176] : memref<32x64xf32, #tpu.memory_space<vmem>>[vector<16xi32>, vector<16xi32>], vector<16xf32>,
    %add3A_178 = arith.addf %add3A_162, %gather3A_177 : vector<16xf32>
    %broadcast_in_dim3A_179 = arith.constant 41 : i32
    %broadcast_in_dim3A_180 = vector.broadcast %broadcast_in_dim3A_179 : i32 to vector<16xi32>
    %gather3A_181 = tpu.vector_load_idx %arg6[%add3A_8, %broadcast_in_dim3A_180] : memref<32x64xf32, #tpu.memory_space<vmem>>[vector<16xi32>, vector<16xi32>], vector<16xf32>,
    %add3A_182 = arith.addf %add3A_166, %gather3A_181 : vector<16xf32>
    %broadcast_in_dim3A_183 = arith.constant 42 : i32
    %broadcast_in_dim3A_184 = vector.broadcast %broadcast_in_dim3A_183 : i32 to vector<16xi32>
    %gather3A_185 = tpu.vector_load_idx %arg6[%add3A_8, %broadcast_in_dim3A_184] : memref<32x64xf32, #tpu.memory_space<vmem>>[vector<16xi32>, vector<16xi32>], vector<16xf32>,
    %add3A_186 = arith.addf %add3A_170, %gather3A_185 : vector<16xf32>
    %broadcast_in_dim3A_187 = arith.constant 43 : i32
    %broadcast_in_dim3A_188 = vector.broadcast %broadcast_in_dim3A_187 : i32 to vector<16xi32>
    %gather3A_189 = tpu.vector_load_idx %arg6[%add3A_8, %broadcast_in_dim3A_188] : memref<32x64xf32, #tpu.memory_space<vmem>>[vector<16xi32>, vector<16xi32>], vector<16xf32>,
    %add3A_190 = arith.addf %add3A_174, %gather3A_189 : vector<16xf32>
    %broadcast_in_dim3A_191 = arith.constant 44 : i32
    %broadcast_in_dim3A_192 = vector.broadcast %broadcast_in_dim3A_191 : i32 to vector<16xi32>
    %gather3A_193 = tpu.vector_load_idx %arg6[%add3A_8, %broadcast_in_dim3A_192] : memref<32x64xf32, #tpu.memory_space<vmem>>[vector<16xi32>, vector<16xi32>], vector<16xf32>,
    %add3A_194 = arith.addf %add3A_178, %gather3A_193 : vector<16xf32>
    %broadcast_in_dim3A_195 = arith.constant 45 : i32
    %broadcast_in_dim3A_196 = vector.broadcast %broadcast_in_dim3A_195 : i32 to vector<16xi32>
    %gather3A_197 = tpu.vector_load_idx %arg6[%add3A_8, %broadcast_in_dim3A_196] : memref<32x64xf32, #tpu.memory_space<vmem>>[vector<16xi32>, vector<16xi32>], vector<16xf32>,
    %add3A_198 = arith.addf %add3A_182, %gather3A_197 : vector<16xf32>
    %broadcast_in_dim3A_199 = arith.constant 46 : i32
    %broadcast_in_dim3A_200 = vector.broadcast %broadcast_in_dim3A_199 : i32 to vector<16xi32>
    %gather3A_201 = tpu.vector_load_idx %arg6[%add3A_8, %broadcast_in_dim3A_200] : memref<32x64xf32, #tpu.memory_space<vmem>>[vector<16xi32>, vector<16xi32>], vector<16xf32>,
    %add3A_202 = arith.addf %add3A_186, %gather3A_201 : vector<16xf32>
    %broadcast_in_dim3A_203 = arith.constant 47 : i32
    %broadcast_in_dim3A_204 = vector.broadcast %broadcast_in_dim3A_203 : i32 to vector<16xi32>
    %gather3A_205 = tpu.vector_load_idx %arg6[%add3A_8, %broadcast_in_dim3A_204] : memref<32x64xf32, #tpu.memory_space<vmem>>[vector<16xi32>, vector<16xi32>], vector<16xf32>,
    %add3A_206 = arith.addf %add3A_190, %gather3A_205 : vector<16xf32>
    %broadcast_in_dim3A_207 = arith.constant 48 : i32
    %broadcast_in_dim3A_208 = vector.broadcast %broadcast_in_dim3A_207 : i32 to vector<16xi32>
    %gather3A_209 = tpu.vector_load_idx %arg6[%add3A_8, %broadcast_in_dim3A_208] : memref<32x64xf32, #tpu.memory_space<vmem>>[vector<16xi32>, vector<16xi32>], vector<16xf32>,
    %add3A_210 = arith.addf %add3A_194, %gather3A_209 : vector<16xf32>
    %broadcast_in_dim3A_211 = arith.constant 49 : i32
    %broadcast_in_dim3A_212 = vector.broadcast %broadcast_in_dim3A_211 : i32 to vector<16xi32>
    %gather3A_213 = tpu.vector_load_idx %arg6[%add3A_8, %broadcast_in_dim3A_212] : memref<32x64xf32, #tpu.memory_space<vmem>>[vector<16xi32>, vector<16xi32>], vector<16xf32>,
    %add3A_214 = arith.addf %add3A_198, %gather3A_213 : vector<16xf32>
    %broadcast_in_dim3A_215 = arith.constant 50 : i32
    %broadcast_in_dim3A_216 = vector.broadcast %broadcast_in_dim3A_215 : i32 to vector<16xi32>
    %gather3A_217 = tpu.vector_load_idx %arg6[%add3A_8, %broadcast_in_dim3A_216] : memref<32x64xf32, #tpu.memory_space<vmem>>[vector<16xi32>, vector<16xi32>], vector<16xf32>,
    %add3A_218 = arith.addf %add3A_202, %gather3A_217 : vector<16xf32>
    %broadcast_in_dim3A_219 = arith.constant 51 : i32
    %broadcast_in_dim3A_220 = vector.broadcast %broadcast_in_dim3A_219 : i32 to vector<16xi32>
    %gather3A_221 = tpu.vector_load_idx %arg6[%add3A_8, %broadcast_in_dim3A_220] : memref<32x64xf32, #tpu.memory_space<vmem>>[vector<16xi32>, vector<16xi32>], vector<16xf32>,
    %add3A_222 = arith.addf %add3A_206, %gather3A_221 : vector<16xf32>
    %broadcast_in_dim3A_223 = arith.constant 52 : i32
    %broadcast_in_dim3A_224 = vector.broadcast %broadcast_in_dim3A_223 : i32 to vector<16xi32>
    %gather3A_225 = tpu.vector_load_idx %arg6[%add3A_8, %broadcast_in_dim3A_224] : memref<32x64xf32, #tpu.memory_space<vmem>>[vector<16xi32>, vector<16xi32>], vector<16xf32>,
    %add3A_226 = arith.addf %add3A_210, %gather3A_225 : vector<16xf32>
    %broadcast_in_dim3A_227 = arith.constant 53 : i32
    %broadcast_in_dim3A_228 = vector.broadcast %broadcast_in_dim3A_227 : i32 to vector<16xi32>
    %gather3A_229 = tpu.vector_load_idx %arg6[%add3A_8, %broadcast_in_dim3A_228] : memref<32x64xf32, #tpu.memory_space<vmem>>[vector<16xi32>, vector<16xi32>], vector<16xf32>,
    %add3A_230 = arith.addf %add3A_214, %gather3A_229 : vector<16xf32>
    %broadcast_in_dim3A_231 = arith.constant 54 : i32
    %broadcast_in_dim3A_232 = vector.broadcast %broadcast_in_dim3A_231 : i32 to vector<16xi32>
    %gather3A_233 = tpu.vector_load_idx %arg6[%add3A_8, %broadcast_in_dim3A_232] : memref<32x64xf32, #tpu.memory_space<vmem>>[vector<16xi32>, vector<16xi32>], vector<16xf32>,
    %add3A_234 = arith.addf %add3A_218, %gather3A_233 : vector<16xf32>
    %broadcast_in_dim3A_235 = arith.constant 55 : i32
    %broadcast_in_dim3A_236 = vector.broadcast %broadcast_in_dim3A_235 : i32 to vector<16xi32>
    %gather3A_237 = tpu.vector_load_idx %arg6[%add3A_8, %broadcast_in_dim3A_236] : memref<32x64xf32, #tpu.memory_space<vmem>>[vector<16xi32>, vector<16xi32>], vector<16xf32>,
    %add3A_238 = arith.addf %add3A_222, %gather3A_237 : vector<16xf32>
    %broadcast_in_dim3A_239 = arith.constant 56 : i32
    %broadcast_in_dim3A_240 = vector.broadcast %broadcast_in_dim3A_239 : i32 to vector<16xi32>
    %gather3A_241 = tpu.vector_load_idx %arg6[%add3A_8, %broadcast_in_dim3A_240] : memref<32x64xf32, #tpu.memory_space<vmem>>[vector<16xi32>, vector<16xi32>], vector<16xf32>,
    %add3A_242 = arith.addf %add3A_226, %gather3A_241 : vector<16xf32>
    %broadcast_in_dim3A_243 = arith.constant 57 : i32
    %broadcast_in_dim3A_244 = vector.broadcast %broadcast_in_dim3A_243 : i32 to vector<16xi32>
    %gather3A_245 = tpu.vector_load_idx %arg6[%add3A_8, %broadcast_in_dim3A_244] : memref<32x64xf32, #tpu.memory_space<vmem>>[vector<16xi32>, vector<16xi32>], vector<16xf32>,
    %add3A_246 = arith.addf %add3A_230, %gather3A_245 : vector<16xf32>
    %broadcast_in_dim3A_247 = arith.constant 58 : i32
    %broadcast_in_dim3A_248 = vector.broadcast %broadcast_in_dim3A_247 : i32 to vector<16xi32>
    %gather3A_249 = tpu.vector_load_idx %arg6[%add3A_8, %broadcast_in_dim3A_248] : memref<32x64xf32, #tpu.memory_space<vmem>>[vector<16xi32>, vector<16xi32>], vector<16xf32>,
    %add3A_250 = arith.addf %add3A_234, %gather3A_249 : vector<16xf32>
    %broadcast_in_dim3A_251 = arith.constant 59 : i32
    %broadcast_in_dim3A_252 = vector.broadcast %broadcast_in_dim3A_251 : i32 to vector<16xi32>
    %gather3A_253 = tpu.vector_load_idx %arg6[%add3A_8, %broadcast_in_dim3A_252] : memref<32x64xf32, #tpu.memory_space<vmem>>[vector<16xi32>, vector<16xi32>], vector<16xf32>,
    %add3A_254 = arith.addf %add3A_238, %gather3A_253 : vector<16xf32>
    %broadcast_in_dim3A_255 = arith.constant 60 : i32
    %broadcast_in_dim3A_256 = vector.broadcast %broadcast_in_dim3A_255 : i32 to vector<16xi32>
    %gather3A_257 = tpu.vector_load_idx %arg6[%add3A_8, %broadcast_in_dim3A_256] : memref<32x64xf32, #tpu.memory_space<vmem>>[vector<16xi32>, vector<16xi32>], vector<16xf32>,
    %add3A_258 = arith.addf %add3A_242, %gather3A_257 : vector<16xf32>
    %broadcast_in_dim3A_259 = arith.constant 61 : i32
    %broadcast_in_dim3A_260 = vector.broadcast %broadcast_in_dim3A_259 : i32 to vector<16xi32>
    %gather3A_261 = tpu.vector_load_idx %arg6[%add3A_8, %broadcast_in_dim3A_260] : memref<32x64xf32, #tpu.memory_space<vmem>>[vector<16xi32>, vector<16xi32>], vector<16xf32>,
    %add3A_262 = arith.addf %add3A_246, %gather3A_261 : vector<16xf32>
    %broadcast_in_dim3A_263 = arith.constant 62 : i32
    %broadcast_in_dim3A_264 = vector.broadcast %broadcast_in_dim3A_263 : i32 to vector<16xi32>
    %gather3A_265 = tpu.vector_load_idx %arg6[%add3A_8, %broadcast_in_dim3A_264] : memref<32x64xf32, #tpu.memory_space<vmem>>[vector<16xi32>, vector<16xi32>], vector<16xf32>,
    %add3A_266 = arith.addf %add3A_250, %gather3A_265 : vector<16xf32>
    %broadcast_in_dim3A_267 = arith.constant 63 : i32
    %broadcast_in_dim3A_268 = vector.broadcast %broadcast_in_dim3A_267 : i32 to vector<16xi32>
    %gather3A_269 = tpu.vector_load_idx %arg6[%add3A_8, %broadcast_in_dim3A_268] : memref<32x64xf32, #tpu.memory_space<vmem>>[vector<16xi32>, vector<16xi32>], vector<16xf32>,
    %add3A_270 = arith.addf %add3A_254, %gather3A_269 : vector<16xf32>
    %add3A_271 = arith.addf %add3A_258, %add3A_262 : vector<16xf32>
    %add3A_272 = arith.addf %add3A_266, %add3A_270 : vector<16xf32>
    %add3A_273 = arith.addf %add3A_271, %add3A_272 : vector<16xf32>
    %swap3A = arith.constant 0 : index
    %swap3A_274 = tpu.vector_load %arg7[%swap3A] {strides = array<i32>} : memref<32xf32, #tpu.memory_space<vmem>>, vector<16xf32>,
    tpu.vector_store %arg7[%swap3A], %add3A_273 {strides = array<i32>} : memref<32xf32, #tpu.memory_space<vmem>>, vector<16xf32>,
    %add3A_275 = arith.constant 16 : i32
    %add3A_276 = vector.broadcast %add3A_275 : i32 to vector<16xi32>
    %add3A_277 = arith.addi %iota3A, %add3A_276 : vector<16xi32>
    %broadcast_in_dim3A_278 = arith.constant 0.000000e+00 : f32
    %broadcast_in_dim3A_279 = vector.broadcast %broadcast_in_dim3A_278 : f32 to vector<16xf32>
    %broadcast_in_dim3A_280 = arith.constant 0.000000e+00 : f32
    %broadcast_in_dim3A_281 = vector.broadcast %broadcast_in_dim3A_280 : f32 to vector<16xf32>
    %broadcast_in_dim3A_282 = arith.constant 0.000000e+00 : f32
    %broadcast_in_dim3A_283 = vector.broadcast %broadcast_in_dim3A_282 : f32 to vector<16xf32>
    %broadcast_in_dim3A_284 = arith.constant 0.000000e+00 : f32
    %broadcast_in_dim3A_285 = vector.broadcast %broadcast_in_dim3A_284 : f32 to vector<16xf32>
    %broadcast_in_dim3A_286 = arith.constant 0 : i32
    %broadcast_in_dim3A_287 = vector.broadcast %broadcast_in_dim3A_286 : i32 to vector<16xi32>
    %gather3A_288 = tpu.vector_load_idx %arg6[%add3A_277, %broadcast_in_dim3A_287] : memref<32x64xf32, #tpu.memory_space<vmem>>[vector<16xi32>, vector<16xi32>], vector<16xf32>,
    %add3A_289 = arith.addf %broadcast_in_dim3A_279, %gather3A_288 : vector<16xf32>
    %broadcast_in_dim3A_290 = arith.constant 1 : i32
    %broadcast_in_dim3A_291 = vector.broadcast %broadcast_in_dim3A_290 : i32 to vector<16xi32>
    %gather3A_292 = tpu.vector_load_idx %arg6[%add3A_277, %broadcast_in_dim3A_291] : memref<32x64xf32, #tpu.memory_space<vmem>>[vector<16xi32>, vector<16xi32>], vector<16xf32>,
    %add3A_293 = arith.addf %broadcast_in_dim3A_281, %gather3A_292 : vector<16xf32>
    %broadcast_in_dim3A_294 = arith.constant 2 : i32
    %broadcast_in_dim3A_295 = vector.broadcast %broadcast_in_dim3A_294 : i32 to vector<16xi32>
    %gather3A_296 = tpu.vector_load_idx %arg6[%add3A_277, %broadcast_in_dim3A_295] : memref<32x64xf32, #tpu.memory_space<vmem>>[vector<16xi32>, vector<16xi32>], vector<16xf32>,
    %add3A_297 = arith.addf %broadcast_in_dim3A_283, %gather3A_296 : vector<16xf32>
    %broadcast_in_dim3A_298 = arith.constant 3 : i32
    %broadcast_in_dim3A_299 = vector.broadcast %broadcast_in_dim3A_298 : i32 to vector<16xi32>
    %gather3A_300 = tpu.vector_load_idx %arg6[%add3A_277, %broadcast_in_dim3A_299] : memref<32x64xf32, #tpu.memory_space<vmem>>[vector<16xi32>, vector<16xi32>], vector<16xf32>,
    %add3A_301 = arith.addf %broadcast_in_dim3A_285, %gather3A_300 : vector<16xf32>
    %broadcast_in_dim3A_302 = arith.constant 4 : i32
    %broadcast_in_dim3A_303 = vector.broadcast %broadcast_in_dim3A_302 : i32 to vector<16xi32>
    %gather3A_304 = tpu.vector_load_idx %arg6[%add3A_277, %broadcast_in_dim3A_303] : memref<32x64xf32, #tpu.memory_space<vmem>>[vector<16xi32>, vector<16xi32>], vector<16xf32>,
    %add3A_305 = arith.addf %add3A_289, %gather3A_304 : vector<16xf32>
    %broadcast_in_dim3A_306 = arith.constant 5 : i32
    %broadcast_in_dim3A_307 = vector.broadcast %broadcast_in_dim3A_306 : i32 to vector<16xi32>
    %gather3A_308 = tpu.vector_load_idx %arg6[%add3A_277, %broadcast_in_dim3A_307] : memref<32x64xf32, #tpu.memory_space<vmem>>[vector<16xi32>, vector<16xi32>], vector<16xf32>,
    %add3A_309 = arith.addf %add3A_293, %gather3A_308 : vector<16xf32>
    %broadcast_in_dim3A_310 = arith.constant 6 : i32
    %broadcast_in_dim3A_311 = vector.broadcast %broadcast_in_dim3A_310 : i32 to vector<16xi32>
    %gather3A_312 = tpu.vector_load_idx %arg6[%add3A_277, %broadcast_in_dim3A_311] : memref<32x64xf32, #tpu.memory_space<vmem>>[vector<16xi32>, vector<16xi32>], vector<16xf32>,
    %add3A_313 = arith.addf %add3A_297, %gather3A_312 : vector<16xf32>
    %broadcast_in_dim3A_314 = arith.constant 7 : i32
    %broadcast_in_dim3A_315 = vector.broadcast %broadcast_in_dim3A_314 : i32 to vector<16xi32>
    %gather3A_316 = tpu.vector_load_idx %arg6[%add3A_277, %broadcast_in_dim3A_315] : memref<32x64xf32, #tpu.memory_space<vmem>>[vector<16xi32>, vector<16xi32>], vector<16xf32>,
    %add3A_317 = arith.addf %add3A_301, %gather3A_316 : vector<16xf32>
    %broadcast_in_dim3A_318 = arith.constant 8 : i32
    %broadcast_in_dim3A_319 = vector.broadcast %broadcast_in_dim3A_318 : i32 to vector<16xi32>
    %gather3A_320 = tpu.vector_load_idx %arg6[%add3A_277, %broadcast_in_dim3A_319] : memref<32x64xf32, #tpu.memory_space<vmem>>[vector<16xi32>, vector<16xi32>], vector<16xf32>,
    %add3A_321 = arith.addf %add3A_305, %gather3A_320 : vector<16xf32>
    %broadcast_in_dim3A_322 = arith.constant 9 : i32
    %broadcast_in_dim3A_323 = vector.broadcast %broadcast_in_dim3A_322 : i32 to vector<16xi32>
    %gather3A_324 = tpu.vector_load_idx %arg6[%add3A_277, %broadcast_in_dim3A_323] : memref<32x64xf32, #tpu.memory_space<vmem>>[vector<16xi32>, vector<16xi32>], vector<16xf32>,
    %add3A_325 = arith.addf %add3A_309, %gather3A_324 : vector<16xf32>
    %broadcast_in_dim3A_326 = arith.constant 10 : i32
    %broadcast_in_dim3A_327 = vector.broadcast %broadcast_in_dim3A_326 : i32 to vector<16xi32>
    %gather3A_328 = tpu.vector_load_idx %arg6[%add3A_277, %broadcast_in_dim3A_327] : memref<32x64xf32, #tpu.memory_space<vmem>>[vector<16xi32>, vector<16xi32>], vector<16xf32>,
    %add3A_329 = arith.addf %add3A_313, %gather3A_328 : vector<16xf32>
    %broadcast_in_dim3A_330 = arith.constant 11 : i32
    %broadcast_in_dim3A_331 = vector.broadcast %broadcast_in_dim3A_330 : i32 to vector<16xi32>
    %gather3A_332 = tpu.vector_load_idx %arg6[%add3A_277, %broadcast_in_dim3A_331] : memref<32x64xf32, #tpu.memory_space<vmem>>[vector<16xi32>, vector<16xi32>], vector<16xf32>,
    %add3A_333 = arith.addf %add3A_317, %gather3A_332 : vector<16xf32>
    %broadcast_in_dim3A_334 = arith.constant 12 : i32
    %broadcast_in_dim3A_335 = vector.broadcast %broadcast_in_dim3A_334 : i32 to vector<16xi32>
    %gather3A_336 = tpu.vector_load_idx %arg6[%add3A_277, %broadcast_in_dim3A_335] : memref<32x64xf32, #tpu.memory_space<vmem>>[vector<16xi32>, vector<16xi32>], vector<16xf32>,
    %add3A_337 = arith.addf %add3A_321, %gather3A_336 : vector<16xf32>
    %broadcast_in_dim3A_338 = arith.constant 13 : i32
    %broadcast_in_dim3A_339 = vector.broadcast %broadcast_in_dim3A_338 : i32 to vector<16xi32>
    %gather3A_340 = tpu.vector_load_idx %arg6[%add3A_277, %broadcast_in_dim3A_339] : memref<32x64xf32, #tpu.memory_space<vmem>>[vector<16xi32>, vector<16xi32>], vector<16xf32>,
    %add3A_341 = arith.addf %add3A_325, %gather3A_340 : vector<16xf32>
    %broadcast_in_dim3A_342 = arith.constant 14 : i32
    %broadcast_in_dim3A_343 = vector.broadcast %broadcast_in_dim3A_342 : i32 to vector<16xi32>
    %gather3A_344 = tpu.vector_load_idx %arg6[%add3A_277, %broadcast_in_dim3A_343] : memref<32x64xf32, #tpu.memory_space<vmem>>[vector<16xi32>, vector<16xi32>], vector<16xf32>,
    %add3A_345 = arith.addf %add3A_329, %gather3A_344 : vector<16xf32>
    %broadcast_in_dim3A_346 = arith.constant 15 : i32
    %broadcast_in_dim3A_347 = vector.broadcast %broadcast_in_dim3A_346 : i32 to vector<16xi32>
    %gather3A_348 = tpu.vector_load_idx %arg6[%add3A_277, %broadcast_in_dim3A_347] : memref<32x64xf32, #tpu.memory_space<vmem>>[vector<16xi32>, vector<16xi32>], vector<16xf32>,
    %add3A_349 = arith.addf %add3A_333, %gather3A_348 : vector<16xf32>
    %broadcast_in_dim3A_350 = arith.constant 16 : i32
    %broadcast_in_dim3A_351 = vector.broadcast %broadcast_in_dim3A_350 : i32 to vector<16xi32>
    %gather3A_352 = tpu.vector_load_idx %arg6[%add3A_277, %broadcast_in_dim3A_351] : memref<32x64xf32, #tpu.memory_space<vmem>>[vector<16xi32>, vector<16xi32>], vector<16xf32>,
    %add3A_353 = arith.addf %add3A_337, %gather3A_352 : vector<16xf32>
    %broadcast_in_dim3A_354 = arith.constant 17 : i32
    %broadcast_in_dim3A_355 = vector.broadcast %broadcast_in_dim3A_354 : i32 to vector<16xi32>
    %gather3A_356 = tpu.vector_load_idx %arg6[%add3A_277, %broadcast_in_dim3A_355] : memref<32x64xf32, #tpu.memory_space<vmem>>[vector<16xi32>, vector<16xi32>], vector<16xf32>,
    %add3A_357 = arith.addf %add3A_341, %gather3A_356 : vector<16xf32>
    %broadcast_in_dim3A_358 = arith.constant 18 : i32
    %broadcast_in_dim3A_359 = vector.broadcast %broadcast_in_dim3A_358 : i32 to vector<16xi32>
    %gather3A_360 = tpu.vector_load_idx %arg6[%add3A_277, %broadcast_in_dim3A_359] : memref<32x64xf32, #tpu.memory_space<vmem>>[vector<16xi32>, vector<16xi32>], vector<16xf32>,
    %add3A_361 = arith.addf %add3A_345, %gather3A_360 : vector<16xf32>
    %broadcast_in_dim3A_362 = arith.constant 19 : i32
    %broadcast_in_dim3A_363 = vector.broadcast %broadcast_in_dim3A_362 : i32 to vector<16xi32>
    %gather3A_364 = tpu.vector_load_idx %arg6[%add3A_277, %broadcast_in_dim3A_363] : memref<32x64xf32, #tpu.memory_space<vmem>>[vector<16xi32>, vector<16xi32>], vector<16xf32>,
    %add3A_365 = arith.addf %add3A_349, %gather3A_364 : vector<16xf32>
    %broadcast_in_dim3A_366 = arith.constant 20 : i32
    %broadcast_in_dim3A_367 = vector.broadcast %broadcast_in_dim3A_366 : i32 to vector<16xi32>
    %gather3A_368 = tpu.vector_load_idx %arg6[%add3A_277, %broadcast_in_dim3A_367] : memref<32x64xf32, #tpu.memory_space<vmem>>[vector<16xi32>, vector<16xi32>], vector<16xf32>,
    %add3A_369 = arith.addf %add3A_353, %gather3A_368 : vector<16xf32>
    %broadcast_in_dim3A_370 = arith.constant 21 : i32
    %broadcast_in_dim3A_371 = vector.broadcast %broadcast_in_dim3A_370 : i32 to vector<16xi32>
    %gather3A_372 = tpu.vector_load_idx %arg6[%add3A_277, %broadcast_in_dim3A_371] : memref<32x64xf32, #tpu.memory_space<vmem>>[vector<16xi32>, vector<16xi32>], vector<16xf32>,
    %add3A_373 = arith.addf %add3A_357, %gather3A_372 : vector<16xf32>
    %broadcast_in_dim3A_374 = arith.constant 22 : i32
    %broadcast_in_dim3A_375 = vector.broadcast %broadcast_in_dim3A_374 : i32 to vector<16xi32>
    %gather3A_376 = tpu.vector_load_idx %arg6[%add3A_277, %broadcast_in_dim3A_375] : memref<32x64xf32, #tpu.memory_space<vmem>>[vector<16xi32>, vector<16xi32>], vector<16xf32>,
    %add3A_377 = arith.addf %add3A_361, %gather3A_376 : vector<16xf32>
    %broadcast_in_dim3A_378 = arith.constant 23 : i32
    %broadcast_in_dim3A_379 = vector.broadcast %broadcast_in_dim3A_378 : i32 to vector<16xi32>
    %gather3A_380 = tpu.vector_load_idx %arg6[%add3A_277, %broadcast_in_dim3A_379] : memref<32x64xf32, #tpu.memory_space<vmem>>[vector<16xi32>, vector<16xi32>], vector<16xf32>,
    %add3A_381 = arith.addf %add3A_365, %gather3A_380 : vector<16xf32>
    %broadcast_in_dim3A_382 = arith.constant 24 : i32
    %broadcast_in_dim3A_383 = vector.broadcast %broadcast_in_dim3A_382 : i32 to vector<16xi32>
    %gather3A_384 = tpu.vector_load_idx %arg6[%add3A_277, %broadcast_in_dim3A_383] : memref<32x64xf32, #tpu.memory_space<vmem>>[vector<16xi32>, vector<16xi32>], vector<16xf32>,
    %add3A_385 = arith.addf %add3A_369, %gather3A_384 : vector<16xf32>
    %broadcast_in_dim3A_386 = arith.constant 25 : i32
    %broadcast_in_dim3A_387 = vector.broadcast %broadcast_in_dim3A_386 : i32 to vector<16xi32>
    %gather3A_388 = tpu.vector_load_idx %arg6[%add3A_277, %broadcast_in_dim3A_387] : memref<32x64xf32, #tpu.memory_space<vmem>>[vector<16xi32>, vector<16xi32>], vector<16xf32>,
    %add3A_389 = arith.addf %add3A_373, %gather3A_388 : vector<16xf32>
    %broadcast_in_dim3A_390 = arith.constant 26 : i32
    %broadcast_in_dim3A_391 = vector.broadcast %broadcast_in_dim3A_390 : i32 to vector<16xi32>
    %gather3A_392 = tpu.vector_load_idx %arg6[%add3A_277, %broadcast_in_dim3A_391] : memref<32x64xf32, #tpu.memory_space<vmem>>[vector<16xi32>, vector<16xi32>], vector<16xf32>,
    %add3A_393 = arith.addf %add3A_377, %gather3A_392 : vector<16xf32>
    %broadcast_in_dim3A_394 = arith.constant 27 : i32
    %broadcast_in_dim3A_395 = vector.broadcast %broadcast_in_dim3A_394 : i32 to vector<16xi32>
    %gather3A_396 = tpu.vector_load_idx %arg6[%add3A_277, %broadcast_in_dim3A_395] : memref<32x64xf32, #tpu.memory_space<vmem>>[vector<16xi32>, vector<16xi32>], vector<16xf32>,
    %add3A_397 = arith.addf %add3A_381, %gather3A_396 : vector<16xf32>
    %broadcast_in_dim3A_398 = arith.constant 28 : i32
    %broadcast_in_dim3A_399 = vector.broadcast %broadcast_in_dim3A_398 : i32 to vector<16xi32>
    %gather3A_400 = tpu.vector_load_idx %arg6[%add3A_277, %broadcast_in_dim3A_399] : memref<32x64xf32, #tpu.memory_space<vmem>>[vector<16xi32>, vector<16xi32>], vector<16xf32>,
    %add3A_401 = arith.addf %add3A_385, %gather3A_400 : vector<16xf32>
    %broadcast_in_dim3A_402 = arith.constant 29 : i32
    %broadcast_in_dim3A_403 = vector.broadcast %broadcast_in_dim3A_402 : i32 to vector<16xi32>
    %gather3A_404 = tpu.vector_load_idx %arg6[%add3A_277, %broadcast_in_dim3A_403] : memref<32x64xf32, #tpu.memory_space<vmem>>[vector<16xi32>, vector<16xi32>], vector<16xf32>,
    %add3A_405 = arith.addf %add3A_389, %gather3A_404 : vector<16xf32>
    %broadcast_in_dim3A_406 = arith.constant 30 : i32
    %broadcast_in_dim3A_407 = vector.broadcast %broadcast_in_dim3A_406 : i32 to vector<16xi32>
    %gather3A_408 = tpu.vector_load_idx %arg6[%add3A_277, %broadcast_in_dim3A_407] : memref<32x64xf32, #tpu.memory_space<vmem>>[vector<16xi32>, vector<16xi32>], vector<16xf32>,
    %add3A_409 = arith.addf %add3A_393, %gather3A_408 : vector<16xf32>
    %broadcast_in_dim3A_410 = arith.constant 31 : i32
    %broadcast_in_dim3A_411 = vector.broadcast %broadcast_in_dim3A_410 : i32 to vector<16xi32>
    %gather3A_412 = tpu.vector_load_idx %arg6[%add3A_277, %broadcast_in_dim3A_411] : memref<32x64xf32, #tpu.memory_space<vmem>>[vector<16xi32>, vector<16xi32>], vector<16xf32>,
    %add3A_413 = arith.addf %add3A_397, %gather3A_412 : vector<16xf32>
    %broadcast_in_dim3A_414 = arith.constant 32 : i32
    %broadcast_in_dim3A_415 = vector.broadcast %broadcast_in_dim3A_414 : i32 to vector<16xi32>
    %gather3A_416 = tpu.vector_load_idx %arg6[%add3A_277, %broadcast_in_dim3A_415] : memref<32x64xf32, #tpu.memory_space<vmem>>[vector<16xi32>, vector<16xi32>], vector<16xf32>,
    %add3A_417 = arith.addf %add3A_401, %gather3A_416 : vector<16xf32>
    %broadcast_in_dim3A_418 = arith.constant 33 : i32
    %broadcast_in_dim3A_419 = vector.broadcast %broadcast_in_dim3A_418 : i32 to vector<16xi32>
    %gather3A_420 = tpu.vector_load_idx %arg6[%add3A_277, %broadcast_in_dim3A_419] : memref<32x64xf32, #tpu.memory_space<vmem>>[vector<16xi32>, vector<16xi32>], vector<16xf32>,
    %add3A_421 = arith.addf %add3A_405, %gather3A_420 : vector<16xf32>
    %broadcast_in_dim3A_422 = arith.constant 34 : i32
    %broadcast_in_dim3A_423 = vector.broadcast %broadcast_in_dim3A_422 : i32 to vector<16xi32>
    %gather3A_424 = tpu.vector_load_idx %arg6[%add3A_277, %broadcast_in_dim3A_423] : memref<32x64xf32, #tpu.memory_space<vmem>>[vector<16xi32>, vector<16xi32>], vector<16xf32>,
    %add3A_425 = arith.addf %add3A_409, %gather3A_424 : vector<16xf32>
    %broadcast_in_dim3A_426 = arith.constant 35 : i32
    %broadcast_in_dim3A_427 = vector.broadcast %broadcast_in_dim3A_426 : i32 to vector<16xi32>
    %gather3A_428 = tpu.vector_load_idx %arg6[%add3A_277, %broadcast_in_dim3A_427] : memref<32x64xf32, #tpu.memory_space<vmem>>[vector<16xi32>, vector<16xi32>], vector<16xf32>,
    %add3A_429 = arith.addf %add3A_413, %gather3A_428 : vector<16xf32>
    %broadcast_in_dim3A_430 = arith.constant 36 : i32
    %broadcast_in_dim3A_431 = vector.broadcast %broadcast_in_dim3A_430 : i32 to vector<16xi32>
    %gather3A_432 = tpu.vector_load_idx %arg6[%add3A_277, %broadcast_in_dim3A_431] : memref<32x64xf32, #tpu.memory_space<vmem>>[vector<16xi32>, vector<16xi32>], vector<16xf32>,
    %add3A_433 = arith.addf %add3A_417, %gather3A_432 : vector<16xf32>
    %broadcast_in_dim3A_434 = arith.constant 37 : i32
    %broadcast_in_dim3A_435 = vector.broadcast %broadcast_in_dim3A_434 : i32 to vector<16xi32>
    %gather3A_436 = tpu.vector_load_idx %arg6[%add3A_277, %broadcast_in_dim3A_435] : memref<32x64xf32, #tpu.memory_space<vmem>>[vector<16xi32>, vector<16xi32>], vector<16xf32>,
    %add3A_437 = arith.addf %add3A_421, %gather3A_436 : vector<16xf32>
    %broadcast_in_dim3A_438 = arith.constant 38 : i32
    %broadcast_in_dim3A_439 = vector.broadcast %broadcast_in_dim3A_438 : i32 to vector<16xi32>
    %gather3A_440 = tpu.vector_load_idx %arg6[%add3A_277, %broadcast_in_dim3A_439] : memref<32x64xf32, #tpu.memory_space<vmem>>[vector<16xi32>, vector<16xi32>], vector<16xf32>,
    %add3A_441 = arith.addf %add3A_425, %gather3A_440 : vector<16xf32>
    %broadcast_in_dim3A_442 = arith.constant 39 : i32
    %broadcast_in_dim3A_443 = vector.broadcast %broadcast_in_dim3A_442 : i32 to vector<16xi32>
    %gather3A_444 = tpu.vector_load_idx %arg6[%add3A_277, %broadcast_in_dim3A_443] : memref<32x64xf32, #tpu.memory_space<vmem>>[vector<16xi32>, vector<16xi32>], vector<16xf32>,
    %add3A_445 = arith.addf %add3A_429, %gather3A_444 : vector<16xf32>
    %broadcast_in_dim3A_446 = arith.constant 40 : i32
    %broadcast_in_dim3A_447 = vector.broadcast %broadcast_in_dim3A_446 : i32 to vector<16xi32>
    %gather3A_448 = tpu.vector_load_idx %arg6[%add3A_277, %broadcast_in_dim3A_447] : memref<32x64xf32, #tpu.memory_space<vmem>>[vector<16xi32>, vector<16xi32>], vector<16xf32>,
    %add3A_449 = arith.addf %add3A_433, %gather3A_448 : vector<16xf32>
    %broadcast_in_dim3A_450 = arith.constant 41 : i32
    %broadcast_in_dim3A_451 = vector.broadcast %broadcast_in_dim3A_450 : i32 to vector<16xi32>
    %gather3A_452 = tpu.vector_load_idx %arg6[%add3A_277, %broadcast_in_dim3A_451] : memref<32x64xf32, #tpu.memory_space<vmem>>[vector<16xi32>, vector<16xi32>], vector<16xf32>,
    %add3A_453 = arith.addf %add3A_437, %gather3A_452 : vector<16xf32>
    %broadcast_in_dim3A_454 = arith.constant 42 : i32
    %broadcast_in_dim3A_455 = vector.broadcast %broadcast_in_dim3A_454 : i32 to vector<16xi32>
    %gather3A_456 = tpu.vector_load_idx %arg6[%add3A_277, %broadcast_in_dim3A_455] : memref<32x64xf32, #tpu.memory_space<vmem>>[vector<16xi32>, vector<16xi32>], vector<16xf32>,
    %add3A_457 = arith.addf %add3A_441, %gather3A_456 : vector<16xf32>
    %broadcast_in_dim3A_458 = arith.constant 43 : i32
    %broadcast_in_dim3A_459 = vector.broadcast %broadcast_in_dim3A_458 : i32 to vector<16xi32>
    %gather3A_460 = tpu.vector_load_idx %arg6[%add3A_277, %broadcast_in_dim3A_459] : memref<32x64xf32, #tpu.memory_space<vmem>>[vector<16xi32>, vector<16xi32>], vector<16xf32>,
    %add3A_461 = arith.addf %add3A_445, %gather3A_460 : vector<16xf32>
    %broadcast_in_dim3A_462 = arith.constant 44 : i32
    %broadcast_in_dim3A_463 = vector.broadcast %broadcast_in_dim3A_462 : i32 to vector<16xi32>
    %gather3A_464 = tpu.vector_load_idx %arg6[%add3A_277, %broadcast_in_dim3A_463] : memref<32x64xf32, #tpu.memory_space<vmem>>[vector<16xi32>, vector<16xi32>], vector<16xf32>,
    %add3A_465 = arith.addf %add3A_449, %gather3A_464 : vector<16xf32>
    %broadcast_in_dim3A_466 = arith.constant 45 : i32
    %broadcast_in_dim3A_467 = vector.broadcast %broadcast_in_dim3A_466 : i32 to vector<16xi32>
    %gather3A_468 = tpu.vector_load_idx %arg6[%add3A_277, %broadcast_in_dim3A_467] : memref<32x64xf32, #tpu.memory_space<vmem>>[vector<16xi32>, vector<16xi32>], vector<16xf32>,
    %add3A_469 = arith.addf %add3A_453, %gather3A_468 : vector<16xf32>
    %broadcast_in_dim3A_470 = arith.constant 46 : i32
    %broadcast_in_dim3A_471 = vector.broadcast %broadcast_in_dim3A_470 : i32 to vector<16xi32>
    %gather3A_472 = tpu.vector_load_idx %arg6[%add3A_277, %broadcast_in_dim3A_471] : memref<32x64xf32, #tpu.memory_space<vmem>>[vector<16xi32>, vector<16xi32>], vector<16xf32>,
    %add3A_473 = arith.addf %add3A_457, %gather3A_472 : vector<16xf32>
    %broadcast_in_dim3A_474 = arith.constant 47 : i32
    %broadcast_in_dim3A_475 = vector.broadcast %broadcast_in_dim3A_474 : i32 to vector<16xi32>
    %gather3A_476 = tpu.vector_load_idx %arg6[%add3A_277, %broadcast_in_dim3A_475] : memref<32x64xf32, #tpu.memory_space<vmem>>[vector<16xi32>, vector<16xi32>], vector<16xf32>,
    %add3A_477 = arith.addf %add3A_461, %gather3A_476 : vector<16xf32>
    %broadcast_in_dim3A_478 = arith.constant 48 : i32
    %broadcast_in_dim3A_479 = vector.broadcast %broadcast_in_dim3A_478 : i32 to vector<16xi32>
    %gather3A_480 = tpu.vector_load_idx %arg6[%add3A_277, %broadcast_in_dim3A_479] : memref<32x64xf32, #tpu.memory_space<vmem>>[vector<16xi32>, vector<16xi32>], vector<16xf32>,
    %add3A_481 = arith.addf %add3A_465, %gather3A_480 : vector<16xf32>
    %broadcast_in_dim3A_482 = arith.constant 49 : i32
    %broadcast_in_dim3A_483 = vector.broadcast %broadcast_in_dim3A_482 : i32 to vector<16xi32>
    %gather3A_484 = tpu.vector_load_idx %arg6[%add3A_277, %broadcast_in_dim3A_483] : memref<32x64xf32, #tpu.memory_space<vmem>>[vector<16xi32>, vector<16xi32>], vector<16xf32>,
    %add3A_485 = arith.addf %add3A_469, %gather3A_484 : vector<16xf32>
    %broadcast_in_dim3A_486 = arith.constant 50 : i32
    %broadcast_in_dim3A_487 = vector.broadcast %broadcast_in_dim3A_486 : i32 to vector<16xi32>
    %gather3A_488 = tpu.vector_load_idx %arg6[%add3A_277, %broadcast_in_dim3A_487] : memref<32x64xf32, #tpu.memory_space<vmem>>[vector<16xi32>, vector<16xi32>], vector<16xf32>,
    %add3A_489 = arith.addf %add3A_473, %gather3A_488 : vector<16xf32>
    %broadcast_in_dim3A_490 = arith.constant 51 : i32
    %broadcast_in_dim3A_491 = vector.broadcast %broadcast_in_dim3A_490 : i32 to vector<16xi32>
    %gather3A_492 = tpu.vector_load_idx %arg6[%add3A_277, %broadcast_in_dim3A_491] : memref<32x64xf32, #tpu.memory_space<vmem>>[vector<16xi32>, vector<16xi32>], vector<16xf32>,
    %add3A_493 = arith.addf %add3A_477, %gather3A_492 : vector<16xf32>
    %broadcast_in_dim3A_494 = arith.constant 52 : i32
    %broadcast_in_dim3A_495 = vector.broadcast %broadcast_in_dim3A_494 : i32 to vector<16xi32>
    %gather3A_496 = tpu.vector_load_idx %arg6[%add3A_277, %broadcast_in_dim3A_495] : memref<32x64xf32, #tpu.memory_space<vmem>>[vector<16xi32>, vector<16xi32>], vector<16xf32>,
    %add3A_497 = arith.addf %add3A_481, %gather3A_496 : vector<16xf32>
    %broadcast_in_dim3A_498 = arith.constant 53 : i32
    %broadcast_in_dim3A_499 = vector.broadcast %broadcast_in_dim3A_498 : i32 to vector<16xi32>
    %gather3A_500 = tpu.vector_load_idx %arg6[%add3A_277, %broadcast_in_dim3A_499] : memref<32x64xf32, #tpu.memory_space<vmem>>[vector<16xi32>, vector<16xi32>], vector<16xf32>,
    %add3A_501 = arith.addf %add3A_485, %gather3A_500 : vector<16xf32>
    %broadcast_in_dim3A_502 = arith.constant 54 : i32
    %broadcast_in_dim3A_503 = vector.broadcast %broadcast_in_dim3A_502 : i32 to vector<16xi32>
    %gather3A_504 = tpu.vector_load_idx %arg6[%add3A_277, %broadcast_in_dim3A_503] : memref<32x64xf32, #tpu.memory_space<vmem>>[vector<16xi32>, vector<16xi32>], vector<16xf32>,
    %add3A_505 = arith.addf %add3A_489, %gather3A_504 : vector<16xf32>
    %broadcast_in_dim3A_506 = arith.constant 55 : i32
    %broadcast_in_dim3A_507 = vector.broadcast %broadcast_in_dim3A_506 : i32 to vector<16xi32>
    %gather3A_508 = tpu.vector_load_idx %arg6[%add3A_277, %broadcast_in_dim3A_507] : memref<32x64xf32, #tpu.memory_space<vmem>>[vector<16xi32>, vector<16xi32>], vector<16xf32>,
    %add3A_509 = arith.addf %add3A_493, %gather3A_508 : vector<16xf32>
    %broadcast_in_dim3A_510 = arith.constant 56 : i32
    %broadcast_in_dim3A_511 = vector.broadcast %broadcast_in_dim3A_510 : i32 to vector<16xi32>
    %gather3A_512 = tpu.vector_load_idx %arg6[%add3A_277, %broadcast_in_dim3A_511] : memref<32x64xf32, #tpu.memory_space<vmem>>[vector<16xi32>, vector<16xi32>], vector<16xf32>,
    %add3A_513 = arith.addf %add3A_497, %gather3A_512 : vector<16xf32>
    %broadcast_in_dim3A_514 = arith.constant 57 : i32
    %broadcast_in_dim3A_515 = vector.broadcast %broadcast_in_dim3A_514 : i32 to vector<16xi32>
    %gather3A_516 = tpu.vector_load_idx %arg6[%add3A_277, %broadcast_in_dim3A_515] : memref<32x64xf32, #tpu.memory_space<vmem>>[vector<16xi32>, vector<16xi32>], vector<16xf32>,
    %add3A_517 = arith.addf %add3A_501, %gather3A_516 : vector<16xf32>
    %broadcast_in_dim3A_518 = arith.constant 58 : i32
    %broadcast_in_dim3A_519 = vector.broadcast %broadcast_in_dim3A_518 : i32 to vector<16xi32>
    %gather3A_520 = tpu.vector_load_idx %arg6[%add3A_277, %broadcast_in_dim3A_519] : memref<32x64xf32, #tpu.memory_space<vmem>>[vector<16xi32>, vector<16xi32>], vector<16xf32>,
    %add3A_521 = arith.addf %add3A_505, %gather3A_520 : vector<16xf32>
    %broadcast_in_dim3A_522 = arith.constant 59 : i32
    %broadcast_in_dim3A_523 = vector.broadcast %broadcast_in_dim3A_522 : i32 to vector<16xi32>
    %gather3A_524 = tpu.vector_load_idx %arg6[%add3A_277, %broadcast_in_dim3A_523] : memref<32x64xf32, #tpu.memory_space<vmem>>[vector<16xi32>, vector<16xi32>], vector<16xf32>,
    %add3A_525 = arith.addf %add3A_509, %gather3A_524 : vector<16xf32>
    %broadcast_in_dim3A_526 = arith.constant 60 : i32
    %broadcast_in_dim3A_527 = vector.broadcast %broadcast_in_dim3A_526 : i32 to vector<16xi32>
    %gather3A_528 = tpu.vector_load_idx %arg6[%add3A_277, %broadcast_in_dim3A_527] : memref<32x64xf32, #tpu.memory_space<vmem>>[vector<16xi32>, vector<16xi32>], vector<16xf32>,
    %add3A_529 = arith.addf %add3A_513, %gather3A_528 : vector<16xf32>
    %broadcast_in_dim3A_530 = arith.constant 61 : i32
    %broadcast_in_dim3A_531 = vector.broadcast %broadcast_in_dim3A_530 : i32 to vector<16xi32>
    %gather3A_532 = tpu.vector_load_idx %arg6[%add3A_277, %broadcast_in_dim3A_531] : memref<32x64xf32, #tpu.memory_space<vmem>>[vector<16xi32>, vector<16xi32>], vector<16xf32>,
    %add3A_533 = arith.addf %add3A_517, %gather3A_532 : vector<16xf32>
    %broadcast_in_dim3A_534 = arith.constant 62 : i32
    %broadcast_in_dim3A_535 = vector.broadcast %broadcast_in_dim3A_534 : i32 to vector<16xi32>
    %gather3A_536 = tpu.vector_load_idx %arg6[%add3A_277, %broadcast_in_dim3A_535] : memref<32x64xf32, #tpu.memory_space<vmem>>[vector<16xi32>, vector<16xi32>], vector<16xf32>,
    %add3A_537 = arith.addf %add3A_521, %gather3A_536 : vector<16xf32>
    %broadcast_in_dim3A_538 = arith.constant 63 : i32
    %broadcast_in_dim3A_539 = vector.broadcast %broadcast_in_dim3A_538 : i32 to vector<16xi32>
    %gather3A_540 = tpu.vector_load_idx %arg6[%add3A_277, %broadcast_in_dim3A_539] : memref<32x64xf32, #tpu.memory_space<vmem>>[vector<16xi32>, vector<16xi32>], vector<16xf32>,
    %add3A_541 = arith.addf %add3A_525, %gather3A_540 : vector<16xf32>
    %add3A_542 = arith.addf %add3A_529, %add3A_533 : vector<16xf32>
    %add3A_543 = arith.addf %add3A_537, %add3A_541 : vector<16xf32>
    %add3A_544 = arith.addf %add3A_542, %add3A_543 : vector<16xf32>
    %swap3A_545 = arith.constant 16 : index
    %swap3A_546 = tpu.vector_load %arg7[%swap3A_545] {strides = array<i32>} : memref<32xf32, #tpu.memory_space<vmem>>, vector<16xf32>,
    tpu.vector_store %arg7[%swap3A_545], %add3A_544 {strides = array<i32>} : memref<32xf32, #tpu.memory_space<vmem>>, vector<16xf32>,
    %broadcast_in_dim3A_547 = arith.constant 0.000000e+00 : f32
    %broadcast_in_dim3A_548 = vector.broadcast %broadcast_in_dim3A_547 : f32 to vector<16xf32>
    %broadcast_in_dim3A_549 = arith.constant 0 : i32
    %broadcast_in_dim3A_550 = vector.broadcast %broadcast_in_dim3A_549 : i32 to vector<16xi32>
    %dma_wait3A = arith.constant 0 : i32
    %dma_wait3A_551 = tpu.memref_slice %arg3[%mul3A_2, %dma_wait3A] : memref<4096x20xi32, #tpu.memory_space<hbm>> -> memref<128x20xi32, #tpu.memory_space<hbm>>
    %dma_wait3A_552 = arith.constant 0 : i32
    %dma_wait3A_553 = tpu.memref_slice %arg3[%mul3A_2, %dma_wait3A_552] : memref<4096x20xi32, #tpu.memory_space<hbm>> -> memref<128x20xi32, #tpu.memory_space<hbm>>
    tpu.wait_dma2 semaphore(%arg9 : memref<!tpu.dma_semaphore, #tpu.memory_space<semaphore_mem>>) src(%dma_wait3A_553 : memref<128x20xi32, #tpu.memory_space<hbm>>) dst(%arg5 : memref<128x20xi32, #tpu.memory_space<vmem>>)
    %scan3A = arith.constant 0 : i32
    %scan3A_554 = arith.constant 20 : i32
    %scan3A_555 = arith.addi %scan3A, %scan3A_554 : i32
    %scan3A_556 = arith.constant 1 : i32
    %scan3A_557:6 = scf.for %scan3A_564 = %scan3A to %scan3A_555 step %scan3A_556 iter_args(%scan3A_565 = %broadcast_in_dim3A_550, %scan3A_566 = %iota3A, %scan3A_567 = %broadcast_in_dim3A_548, %scan3A_568 = %broadcast_in_dim3A_548, %scan3A_569 = %broadcast_in_dim3A_548, %scan3A_570 = %broadcast_in_dim3A_548) -> (vector<16xi32>, vector<16xi32>, vector<16xf32>, vector<16xf32>, vector<16xf32>, vector<16xf32>)  : i32 {
      %gather3A_571 = tpu.vector_load_idx %arg5[%scan3A_565, %scan3A_566] : memref<128x20xi32, #tpu.memory_space<vmem>>[vector<16xi32>, vector<16xi32>], vector<16xi32>,
      %and3A = arith.constant 31 : i32
      %and3A_572 = vector.broadcast %and3A : i32 to vector<16xi32>
      %and3A_573 = arith.andi %gather3A_571, %and3A_572 : vector<16xi32>
      %gather3A_574 = tpu.vector_load_idx %arg7[%and3A_573] : memref<32xf32, #tpu.memory_space<vmem>>[vector<16xi32>], vector<16xf32>,
      %add3A_575 = arith.addf %scan3A_567, %gather3A_574 : vector<16xf32>
      %add3A_576 = arith.constant 16 : i32
      %add3A_577 = vector.broadcast %add3A_576 : i32 to vector<16xi32>
      %add3A_578 = arith.addi %scan3A_566, %add3A_577 : vector<16xi32>
      %ge3A = arith.constant 20 : i32
      %ge3A_579 = vector.broadcast %ge3A : i32 to vector<16xi32>
      %ge3A_580 = arith.cmpi sge, %add3A_578, %ge3A_579 : vector<16xi32>
      %sub3A = arith.constant 20 : i32
      %sub3A_581 = vector.broadcast %sub3A : i32 to vector<16xi32>
      %sub3A_582 = arith.subi %add3A_578, %sub3A_581 : vector<16xi32>
      %select_n3A = arith.select %ge3A_580, %sub3A_582, %add3A_578 : vector<16xi1>, vector<16xi32>
      %add3A_583 = arith.constant 1 : i32
      %add3A_584 = vector.broadcast %add3A_583 : i32 to vector<16xi32>
      %add3A_585 = arith.addi %scan3A_565, %add3A_584 : vector<16xi32>
      %select_n3A_586 = arith.select %ge3A_580, %add3A_585, %scan3A_565 : vector<16xi1>, vector<16xi32>
      %gather3A_587 = tpu.vector_load_idx %arg5[%select_n3A_586, %select_n3A] : memref<128x20xi32, #tpu.memory_space<vmem>>[vector<16xi32>, vector<16xi32>], vector<16xi32>,
      %and3A_588 = arith.constant 31 : i32
      %and3A_589 = vector.broadcast %and3A_588 : i32 to vector<16xi32>
      %and3A_590 = arith.andi %gather3A_587, %and3A_589 : vector<16xi32>
      %gather3A_591 = tpu.vector_load_idx %arg7[%and3A_590] : memref<32xf32, #tpu.memory_space<vmem>>[vector<16xi32>], vector<16xf32>,
      %add3A_592 = arith.addf %scan3A_568, %gather3A_591 : vector<16xf32>
      %add3A_593 = arith.constant 16 : i32
      %add3A_594 = vector.broadcast %add3A_593 : i32 to vector<16xi32>
      %add3A_595 = arith.addi %select_n3A, %add3A_594 : vector<16xi32>
      %ge3A_596 = arith.constant 20 : i32
      %ge3A_597 = vector.broadcast %ge3A_596 : i32 to vector<16xi32>
      %ge3A_598 = arith.cmpi sge, %add3A_595, %ge3A_597 : vector<16xi32>
      %sub3A_599 = arith.constant 20 : i32
      %sub3A_600 = vector.broadcast %sub3A_599 : i32 to vector<16xi32>
      %sub3A_601 = arith.subi %add3A_595, %sub3A_600 : vector<16xi32>
      %select_n3A_602 = arith.select %ge3A_598, %sub3A_601, %add3A_595 : vector<16xi1>, vector<16xi32>
      %add3A_603 = arith.constant 1 : i32
      %add3A_604 = vector.broadcast %add3A_603 : i32 to vector<16xi32>
      %add3A_605 = arith.addi %select_n3A_586, %add3A_604 : vector<16xi32>
      %select_n3A_606 = arith.select %ge3A_598, %add3A_605, %select_n3A_586 : vector<16xi1>, vector<16xi32>
      %gather3A_607 = tpu.vector_load_idx %arg5[%select_n3A_606, %select_n3A_602] : memref<128x20xi32, #tpu.memory_space<vmem>>[vector<16xi32>, vector<16xi32>], vector<16xi32>,
      %and3A_608 = arith.constant 31 : i32
      %and3A_609 = vector.broadcast %and3A_608 : i32 to vector<16xi32>
      %and3A_610 = arith.andi %gather3A_607, %and3A_609 : vector<16xi32>
      %gather3A_611 = tpu.vector_load_idx %arg7[%and3A_610] : memref<32xf32, #tpu.memory_space<vmem>>[vector<16xi32>], vector<16xf32>,
      %add3A_612 = arith.addf %scan3A_569, %gather3A_611 : vector<16xf32>
      %add3A_613 = arith.constant 16 : i32
      %add3A_614 = vector.broadcast %add3A_613 : i32 to vector<16xi32>
      %add3A_615 = arith.addi %select_n3A_602, %add3A_614 : vector<16xi32>
      %ge3A_616 = arith.constant 20 : i32
      %ge3A_617 = vector.broadcast %ge3A_616 : i32 to vector<16xi32>
      %ge3A_618 = arith.cmpi sge, %add3A_615, %ge3A_617 : vector<16xi32>
      %sub3A_619 = arith.constant 20 : i32
      %sub3A_620 = vector.broadcast %sub3A_619 : i32 to vector<16xi32>
      %sub3A_621 = arith.subi %add3A_615, %sub3A_620 : vector<16xi32>
      %select_n3A_622 = arith.select %ge3A_618, %sub3A_621, %add3A_615 : vector<16xi1>, vector<16xi32>
      %add3A_623 = arith.constant 1 : i32
      %add3A_624 = vector.broadcast %add3A_623 : i32 to vector<16xi32>
      %add3A_625 = arith.addi %select_n3A_606, %add3A_624 : vector<16xi32>
      %select_n3A_626 = arith.select %ge3A_618, %add3A_625, %select_n3A_606 : vector<16xi1>, vector<16xi32>
      %gather3A_627 = tpu.vector_load_idx %arg5[%select_n3A_626, %select_n3A_622] : memref<128x20xi32, #tpu.memory_space<vmem>>[vector<16xi32>, vector<16xi32>], vector<16xi32>,
      %and3A_628 = arith.constant 31 : i32
      %and3A_629 = vector.broadcast %and3A_628 : i32 to vector<16xi32>
      %and3A_630 = arith.andi %gather3A_627, %and3A_629 : vector<16xi32>
      %gather3A_631 = tpu.vector_load_idx %arg7[%and3A_630] : memref<32xf32, #tpu.memory_space<vmem>>[vector<16xi32>], vector<16xf32>,
      %add3A_632 = arith.addf %scan3A_570, %gather3A_631 : vector<16xf32>
      %add3A_633 = arith.constant 16 : i32
      %add3A_634 = vector.broadcast %add3A_633 : i32 to vector<16xi32>
      %add3A_635 = arith.addi %select_n3A_622, %add3A_634 : vector<16xi32>
      %ge3A_636 = arith.constant 20 : i32
      %ge3A_637 = vector.broadcast %ge3A_636 : i32 to vector<16xi32>
      %ge3A_638 = arith.cmpi sge, %add3A_635, %ge3A_637 : vector<16xi32>
      %sub3A_639 = arith.constant 20 : i32
      %sub3A_640 = vector.broadcast %sub3A_639 : i32 to vector<16xi32>
      %sub3A_641 = arith.subi %add3A_635, %sub3A_640 : vector<16xi32>
      %select_n3A_642 = arith.select %ge3A_638, %sub3A_641, %add3A_635 : vector<16xi1>, vector<16xi32>
      %add3A_643 = arith.constant 1 : i32
      %add3A_644 = vector.broadcast %add3A_643 : i32 to vector<16xi32>
      %add3A_645 = arith.addi %select_n3A_626, %add3A_644 : vector<16xi32>
      %select_n3A_646 = arith.select %ge3A_638, %add3A_645, %select_n3A_626 : vector<16xi1>, vector<16xi32>
      %gather3A_647 = tpu.vector_load_idx %arg5[%select_n3A_646, %select_n3A_642] : memref<128x20xi32, #tpu.memory_space<vmem>>[vector<16xi32>, vector<16xi32>], vector<16xi32>,
      %and3A_648 = arith.constant 31 : i32
      %and3A_649 = vector.broadcast %and3A_648 : i32 to vector<16xi32>
      %and3A_650 = arith.andi %gather3A_647, %and3A_649 : vector<16xi32>
      %gather3A_651 = tpu.vector_load_idx %arg7[%and3A_650] : memref<32xf32, #tpu.memory_space<vmem>>[vector<16xi32>], vector<16xf32>,
      %add3A_652 = arith.addf %add3A_575, %gather3A_651 : vector<16xf32>
      %add3A_653 = arith.constant 16 : i32
      %add3A_654 = vector.broadcast %add3A_653 : i32 to vector<16xi32>
      %add3A_655 = arith.addi %select_n3A_642, %add3A_654 : vector<16xi32>
      %ge3A_656 = arith.constant 20 : i32
      %ge3A_657 = vector.broadcast %ge3A_656 : i32 to vector<16xi32>
      %ge3A_658 = arith.cmpi sge, %add3A_655, %ge3A_657 : vector<16xi32>
      %sub3A_659 = arith.constant 20 : i32
      %sub3A_660 = vector.broadcast %sub3A_659 : i32 to vector<16xi32>
      %sub3A_661 = arith.subi %add3A_655, %sub3A_660 : vector<16xi32>
      %select_n3A_662 = arith.select %ge3A_658, %sub3A_661, %add3A_655 : vector<16xi1>, vector<16xi32>
      %add3A_663 = arith.constant 1 : i32
      %add3A_664 = vector.broadcast %add3A_663 : i32 to vector<16xi32>
      %add3A_665 = arith.addi %select_n3A_646, %add3A_664 : vector<16xi32>
      %select_n3A_666 = arith.select %ge3A_658, %add3A_665, %select_n3A_646 : vector<16xi1>, vector<16xi32>
      %gather3A_667 = tpu.vector_load_idx %arg5[%select_n3A_666, %select_n3A_662] : memref<128x20xi32, #tpu.memory_space<vmem>>[vector<16xi32>, vector<16xi32>], vector<16xi32>,
      %and3A_668 = arith.constant 31 : i32
      %and3A_669 = vector.broadcast %and3A_668 : i32 to vector<16xi32>
      %and3A_670 = arith.andi %gather3A_667, %and3A_669 : vector<16xi32>
      %gather3A_671 = tpu.vector_load_idx %arg7[%and3A_670] : memref<32xf32, #tpu.memory_space<vmem>>[vector<16xi32>], vector<16xf32>,
      %add3A_672 = arith.addf %add3A_592, %gather3A_671 : vector<16xf32>
      %add3A_673 = arith.constant 16 : i32
      %add3A_674 = vector.broadcast %add3A_673 : i32 to vector<16xi32>
      %add3A_675 = arith.addi %select_n3A_662, %add3A_674 : vector<16xi32>
      %ge3A_676 = arith.constant 20 : i32
      %ge3A_677 = vector.broadcast %ge3A_676 : i32 to vector<16xi32>
      %ge3A_678 = arith.cmpi sge, %add3A_675, %ge3A_677 : vector<16xi32>
      %sub3A_679 = arith.constant 20 : i32
      %sub3A_680 = vector.broadcast %sub3A_679 : i32 to vector<16xi32>
      %sub3A_681 = arith.subi %add3A_675, %sub3A_680 : vector<16xi32>
      %select_n3A_682 = arith.select %ge3A_678, %sub3A_681, %add3A_675 : vector<16xi1>, vector<16xi32>
      %add3A_683 = arith.constant 1 : i32
      %add3A_684 = vector.broadcast %add3A_683 : i32 to vector<16xi32>
      %add3A_685 = arith.addi %select_n3A_666, %add3A_684 : vector<16xi32>
      %select_n3A_686 = arith.select %ge3A_678, %add3A_685, %select_n3A_666 : vector<16xi1>, vector<16xi32>
      %gather3A_687 = tpu.vector_load_idx %arg5[%select_n3A_686, %select_n3A_682] : memref<128x20xi32, #tpu.memory_space<vmem>>[vector<16xi32>, vector<16xi32>], vector<16xi32>,
      %and3A_688 = arith.constant 31 : i32
      %and3A_689 = vector.broadcast %and3A_688 : i32 to vector<16xi32>
      %and3A_690 = arith.andi %gather3A_687, %and3A_689 : vector<16xi32>
      %gather3A_691 = tpu.vector_load_idx %arg7[%and3A_690] : memref<32xf32, #tpu.memory_space<vmem>>[vector<16xi32>], vector<16xf32>,
      %add3A_692 = arith.addf %add3A_612, %gather3A_691 : vector<16xf32>
      %add3A_693 = arith.constant 16 : i32
      %add3A_694 = vector.broadcast %add3A_693 : i32 to vector<16xi32>
      %add3A_695 = arith.addi %select_n3A_682, %add3A_694 : vector<16xi32>
      %ge3A_696 = arith.constant 20 : i32
      %ge3A_697 = vector.broadcast %ge3A_696 : i32 to vector<16xi32>
      %ge3A_698 = arith.cmpi sge, %add3A_695, %ge3A_697 : vector<16xi32>
      %sub3A_699 = arith.constant 20 : i32
      %sub3A_700 = vector.broadcast %sub3A_699 : i32 to vector<16xi32>
      %sub3A_701 = arith.subi %add3A_695, %sub3A_700 : vector<16xi32>
      %select_n3A_702 = arith.select %ge3A_698, %sub3A_701, %add3A_695 : vector<16xi1>, vector<16xi32>
      %add3A_703 = arith.constant 1 : i32
      %add3A_704 = vector.broadcast %add3A_703 : i32 to vector<16xi32>
      %add3A_705 = arith.addi %select_n3A_686, %add3A_704 : vector<16xi32>
      %select_n3A_706 = arith.select %ge3A_698, %add3A_705, %select_n3A_686 : vector<16xi1>, vector<16xi32>
      %gather3A_707 = tpu.vector_load_idx %arg5[%select_n3A_706, %select_n3A_702] : memref<128x20xi32, #tpu.memory_space<vmem>>[vector<16xi32>, vector<16xi32>], vector<16xi32>,
      %and3A_708 = arith.constant 31 : i32
      %and3A_709 = vector.broadcast %and3A_708 : i32 to vector<16xi32>
      %and3A_710 = arith.andi %gather3A_707, %and3A_709 : vector<16xi32>
      %gather3A_711 = tpu.vector_load_idx %arg7[%and3A_710] : memref<32xf32, #tpu.memory_space<vmem>>[vector<16xi32>], vector<16xf32>,
      %add3A_712 = arith.addf %add3A_632, %gather3A_711 : vector<16xf32>
      %add3A_713 = arith.constant 16 : i32
      %add3A_714 = vector.broadcast %add3A_713 : i32 to vector<16xi32>
      %add3A_715 = arith.addi %select_n3A_702, %add3A_714 : vector<16xi32>
      %ge3A_716 = arith.constant 20 : i32
      %ge3A_717 = vector.broadcast %ge3A_716 : i32 to vector<16xi32>
      %ge3A_718 = arith.cmpi sge, %add3A_715, %ge3A_717 : vector<16xi32>
      %sub3A_719 = arith.constant 20 : i32
      %sub3A_720 = vector.broadcast %sub3A_719 : i32 to vector<16xi32>
      %sub3A_721 = arith.subi %add3A_715, %sub3A_720 : vector<16xi32>
      %select_n3A_722 = arith.select %ge3A_718, %sub3A_721, %add3A_715 : vector<16xi1>, vector<16xi32>
      %add3A_723 = arith.constant 1 : i32
      %add3A_724 = vector.broadcast %add3A_723 : i32 to vector<16xi32>
      %add3A_725 = arith.addi %select_n3A_706, %add3A_724 : vector<16xi32>
      %select_n3A_726 = arith.select %ge3A_718, %add3A_725, %select_n3A_706 : vector<16xi1>, vector<16xi32>
      scf.yield %select_n3A_726, %select_n3A_722, %add3A_652, %add3A_672, %add3A_692, %add3A_712 : vector<16xi32>, vector<16xi32>, vector<16xf32>, vector<16xf32>, vector<16xf32>, vector<16xf32>
    }
    %scan3A_558 = arith.constant 20 : i32
    %add3A_559 = arith.addf %scan3A_557#2, %scan3A_557#3 : vector<16xf32>
    %add3A_560 = arith.addf %scan3A_557#4, %scan3A_557#5 : vector<16xf32>
    %add3A_561 = arith.addf %add3A_559, %add3A_560 : vector<16xf32>
    %swap3A_562 = arith.constant 0 : index
    %swap3A_563 = tpu.vector_load %arg8[%swap3A_562] {strides = array<i32>} : memref<16xf32, #tpu.memory_space<vmem>>, vector<16xf32>,
    tpu.vector_store %arg8[%swap3A_562], %add3A_561 {strides = array<i32>} : memref<16xf32, #tpu.memory_space<vmem>>, vector<16xf32>,
    "tpu.region"() ({
      %run_scoped3A = tpu.sem_alloc : memref<!tpu.dma_semaphore, #tpu.memory_space<semaphore_mem>>
      %dma_start3A_564 = arith.constant 0 : i32
      %dma_start3A_565 = tpu.memref_slice %arg4[%add3A, %dma_start3A_564] : memref<32x16xf32, #tpu.memory_space<hbm>> -> memref<1x16xf32, #tpu.memory_space<hbm>>
      %dma_start3A_566 = tpu.memref_squeeze %dma_start3A_565 : memref<1x16xf32, #tpu.memory_space<hbm>> -> memref<16xf32, #tpu.memory_space<hbm>>
      %dma_start3A_567 = arith.constant 0 : i32
      %dma_start3A_568 = tpu.memref_slice %arg4[%add3A, %dma_start3A_567] : memref<32x16xf32, #tpu.memory_space<hbm>> -> memref<1x16xf32, #tpu.memory_space<hbm>>
      %dma_start3A_569 = tpu.memref_squeeze %dma_start3A_568 : memref<1x16xf32, #tpu.memory_space<hbm>> -> memref<16xf32, #tpu.memory_space<hbm>>
      tpu.enqueue_dma source(%arg8 : memref<16xf32, #tpu.memory_space<vmem>>) target(%dma_start3A_569 : memref<16xf32, #tpu.memory_space<hbm>>) target_semaphore(%run_scoped3A : memref<!tpu.dma_semaphore, #tpu.memory_space<semaphore_mem>>)
      %dma_wait3A_570 = arith.constant 0 : i32
      %dma_wait3A_571 = tpu.memref_slice %arg4[%add3A, %dma_wait3A_570] : memref<32x16xf32, #tpu.memory_space<hbm>> -> memref<1x16xf32, #tpu.memory_space<hbm>>
      %dma_wait3A_572 = tpu.memref_squeeze %dma_wait3A_571 : memref<1x16xf32, #tpu.memory_space<hbm>> -> memref<16xf32, #tpu.memory_space<hbm>>
      %dma_wait3A_573 = arith.constant 0 : i32
      %dma_wait3A_574 = tpu.memref_slice %arg4[%add3A, %dma_wait3A_573] : memref<32x16xf32, #tpu.memory_space<hbm>> -> memref<1x16xf32, #tpu.memory_space<hbm>>
      %dma_wait3A_575 = tpu.memref_squeeze %dma_wait3A_574 : memref<1x16xf32, #tpu.memory_space<hbm>> -> memref<16xf32, #tpu.memory_space<hbm>>
      tpu.wait_dma2 semaphore(%run_scoped3A : memref<!tpu.dma_semaphore, #tpu.memory_space<semaphore_mem>>) src(%arg8 : memref<16xf32, #tpu.memory_space<vmem>>) dst(%dma_wait3A_575 : memref<16xf32, #tpu.memory_space<hbm>>)
      tpu.yield
    }) : () -> ()
    return
  }
}

module attributes {stable_mosaic.version = 14 : i64} {
  func.func @body(%arg0: memref<32x16xf32, #tpu.memory_space<vmem>>, %arg1: memref<1x1xf32, #tpu.memory_space<smem>>, %arg2: memref<1x1xf32, #tpu.memory_space<smem>>) attributes {dimension_semantics = [], scalar_prefetch = 0 : i64, scratch_operands = 0 : i64, tpu.core_type = #tpu.core_type<tc>} {
    %get3A = arith.constant 0 : index
    %get3A_0 = arith.constant 0 : index
    %get3A_1 = vector.load %arg0[%get3A, %get3A_0] : memref<32x16xf32, #tpu.memory_space<vmem>>, vector<32x16xf32>
    %reduce_sum3A = vector.shape_cast %get3A_1 : vector<32x16xf32> to vector<1x32x16xf32>
    %reduce_sum3A_2 = arith.constant dense<0.000000e+00> : vector<1xf32>
    %reduce_sum3A_3 = vector.multi_reduction <add>, %reduce_sum3A, %reduce_sum3A_2 [1, 2] : vector<1x32x16xf32> to vector<1xf32>
    %reduce_sum3A_4 = vector.shape_cast %reduce_sum3A_3 : vector<1xf32> to vector<1x1x1xf32>
    %reduce_sum3A_5 = vector.extract %reduce_sum3A_4[0, 0, 0] : f32 from vector<1x1x1xf32>
    %get3A_6 = arith.constant 0 : index
    %get3A_7 = arith.constant 0 : index
    %get3A_8 = memref.load %arg1[%get3A_6, %get3A_7] : memref<1x1xf32, #tpu.memory_space<smem>>
    %add3A = arith.addf %reduce_sum3A_5, %get3A_8 : f32
    %mul3A = arith.constant 1.90734863E-6 : f32
    %mul3A_9 = arith.mulf %add3A, %mul3A : f32
    %swap3A = arith.constant 0 : index
    %swap3A_10 = arith.constant 0 : index
    %swap3A_11 = memref.load %arg2[%swap3A, %swap3A_10] : memref<1x1xf32, #tpu.memory_space<smem>>
    memref.store %mul3A_9, %arg2[%swap3A, %swap3A_10] : memref<1x1xf32, #tpu.memory_space<smem>>
    return
  }
}

module attributes {stable_mosaic.version = 14 : i64} {
  func.func @body(%arg0: memref<4096x20xi32, #tpu.memory_space<vmem>>, %arg1: memref<16x64xf32, #tpu.memory_space<vmem>>, %arg2: memref<1x1xf32, #tpu.memory_space<smem>>) attributes {dimension_semantics = [], scalar_prefetch = 0 : i64, scratch_operands = 0 : i64, tpu.core_type = #tpu.core_type<tc>} {
    %get3A = arith.constant 0 : index
    %get3A_0 = arith.constant 0 : index
    %get3A_1 = vector.load %arg1[%get3A, %get3A_0] : memref<16x64xf32, #tpu.memory_space<vmem>>, vector<16x64xf32>
    %reduce_sum3A = arith.constant dense<0.000000e+00> : vector<16xf32>
    %reduce_sum3A_2 = vector.multi_reduction <add>, %get3A_1, %reduce_sum3A [1] : vector<16x64xf32> to vector<16xf32>
    %iota3A = tpu.iota {dimensions = array<i32: 1>} : vector<1x16xi32>
    %iota3A_3 = vector.shape_cast %iota3A : vector<1x16xi32> to vector<16xi32>
    %eq3A = arith.constant 0 : i32
    %eq3A_4 = vector.broadcast %eq3A : i32 to vector<16xi32>
    %eq3A_5 = arith.cmpi eq, %iota3A_3, %eq3A_4 : vector<16xi32>
    %jit3A = arith.constant 0.000000e+00 : f32
    %broadcast_in_dim3A = vector.broadcast %jit3A : f32 to vector<16xf32>
    %select_n3A = arith.select %eq3A_5, %reduce_sum3A_2, %broadcast_in_dim3A : vector<16xi1>, vector<16xf32>
    %reduce_sum3A_6 = vector.shape_cast %select_n3A : vector<16xf32> to vector<1x16xf32>
    %reduce_sum3A_7 = arith.constant dense<0.000000e+00> : vector<1xf32>
    %reduce_sum3A_8 = vector.multi_reduction <add>, %reduce_sum3A_6, %reduce_sum3A_7 [1] : vector<1x16xf32> to vector<1xf32>
    %reduce_sum3A_9 = vector.shape_cast %reduce_sum3A_8 : vector<1xf32> to vector<1x1xf32>
    %reduce_sum3A_10 = vector.extract %reduce_sum3A_9[0, 0] : f32 from vector<1x1xf32>
    %eq3A_11 = arith.constant 1 : i32
    %eq3A_12 = vector.broadcast %eq3A_11 : i32 to vector<16xi32>
    %eq3A_13 = arith.cmpi eq, %iota3A_3, %eq3A_12 : vector<16xi32>
    %jit3A_14 = arith.constant 0.000000e+00 : f32
    %broadcast_in_dim3A_15 = vector.broadcast %jit3A_14 : f32 to vector<16xf32>
    %select_n3A_16 = arith.select %eq3A_13, %reduce_sum3A_2, %broadcast_in_dim3A_15 : vector<16xi1>, vector<16xf32>
    %reduce_sum3A_17 = vector.shape_cast %select_n3A_16 : vector<16xf32> to vector<1x16xf32>
    %reduce_sum3A_18 = arith.constant dense<0.000000e+00> : vector<1xf32>
    %reduce_sum3A_19 = vector.multi_reduction <add>, %reduce_sum3A_17, %reduce_sum3A_18 [1] : vector<1x16xf32> to vector<1xf32>
    %reduce_sum3A_20 = vector.shape_cast %reduce_sum3A_19 : vector<1xf32> to vector<1x1xf32>
    %reduce_sum3A_21 = vector.extract %reduce_sum3A_20[0, 0] : f32 from vector<1x1xf32>
    %eq3A_22 = arith.constant 2 : i32
    %eq3A_23 = vector.broadcast %eq3A_22 : i32 to vector<16xi32>
    %eq3A_24 = arith.cmpi eq, %iota3A_3, %eq3A_23 : vector<16xi32>
    %jit3A_25 = arith.constant 0.000000e+00 : f32
    %broadcast_in_dim3A_26 = vector.broadcast %jit3A_25 : f32 to vector<16xf32>
    %select_n3A_27 = arith.select %eq3A_24, %reduce_sum3A_2, %broadcast_in_dim3A_26 : vector<16xi1>, vector<16xf32>
    %reduce_sum3A_28 = vector.shape_cast %select_n3A_27 : vector<16xf32> to vector<1x16xf32>
    %reduce_sum3A_29 = arith.constant dense<0.000000e+00> : vector<1xf32>
    %reduce_sum3A_30 = vector.multi_reduction <add>, %reduce_sum3A_28, %reduce_sum3A_29 [1] : vector<1x16xf32> to vector<1xf32>
    %reduce_sum3A_31 = vector.shape_cast %reduce_sum3A_30 : vector<1xf32> to vector<1x1xf32>
    %reduce_sum3A_32 = vector.extract %reduce_sum3A_31[0, 0] : f32 from vector<1x1xf32>
    %eq3A_33 = arith.constant 3 : i32
    %eq3A_34 = vector.broadcast %eq3A_33 : i32 to vector<16xi32>
    %eq3A_35 = arith.cmpi eq, %iota3A_3, %eq3A_34 : vector<16xi32>
    %jit3A_36 = arith.constant 0.000000e+00 : f32
    %broadcast_in_dim3A_37 = vector.broadcast %jit3A_36 : f32 to vector<16xf32>
    %select_n3A_38 = arith.select %eq3A_35, %reduce_sum3A_2, %broadcast_in_dim3A_37 : vector<16xi1>, vector<16xf32>
    %reduce_sum3A_39 = vector.shape_cast %select_n3A_38 : vector<16xf32> to vector<1x16xf32>
    %reduce_sum3A_40 = arith.constant dense<0.000000e+00> : vector<1xf32>
    %reduce_sum3A_41 = vector.multi_reduction <add>, %reduce_sum3A_39, %reduce_sum3A_40 [1] : vector<1x16xf32> to vector<1xf32>
    %reduce_sum3A_42 = vector.shape_cast %reduce_sum3A_41 : vector<1xf32> to vector<1x1xf32>
    %reduce_sum3A_43 = vector.extract %reduce_sum3A_42[0, 0] : f32 from vector<1x1xf32>
    %eq3A_44 = arith.constant 4 : i32
    %eq3A_45 = vector.broadcast %eq3A_44 : i32 to vector<16xi32>
    %eq3A_46 = arith.cmpi eq, %iota3A_3, %eq3A_45 : vector<16xi32>
    %jit3A_47 = arith.constant 0.000000e+00 : f32
    %broadcast_in_dim3A_48 = vector.broadcast %jit3A_47 : f32 to vector<16xf32>
    %select_n3A_49 = arith.select %eq3A_46, %reduce_sum3A_2, %broadcast_in_dim3A_48 : vector<16xi1>, vector<16xf32>
    %reduce_sum3A_50 = vector.shape_cast %select_n3A_49 : vector<16xf32> to vector<1x16xf32>
    %reduce_sum3A_51 = arith.constant dense<0.000000e+00> : vector<1xf32>
    %reduce_sum3A_52 = vector.multi_reduction <add>, %reduce_sum3A_50, %reduce_sum3A_51 [1] : vector<1x16xf32> to vector<1xf32>
    %reduce_sum3A_53 = vector.shape_cast %reduce_sum3A_52 : vector<1xf32> to vector<1x1xf32>
    %reduce_sum3A_54 = vector.extract %reduce_sum3A_53[0, 0] : f32 from vector<1x1xf32>
    %eq3A_55 = arith.constant 5 : i32
    %eq3A_56 = vector.broadcast %eq3A_55 : i32 to vector<16xi32>
    %eq3A_57 = arith.cmpi eq, %iota3A_3, %eq3A_56 : vector<16xi32>
    %jit3A_58 = arith.constant 0.000000e+00 : f32
    %broadcast_in_dim3A_59 = vector.broadcast %jit3A_58 : f32 to vector<16xf32>
    %select_n3A_60 = arith.select %eq3A_57, %reduce_sum3A_2, %broadcast_in_dim3A_59 : vector<16xi1>, vector<16xf32>
    %reduce_sum3A_61 = vector.shape_cast %select_n3A_60 : vector<16xf32> to vector<1x16xf32>
    %reduce_sum3A_62 = arith.constant dense<0.000000e+00> : vector<1xf32>
    %reduce_sum3A_63 = vector.multi_reduction <add>, %reduce_sum3A_61, %reduce_sum3A_62 [1] : vector<1x16xf32> to vector<1xf32>
    %reduce_sum3A_64 = vector.shape_cast %reduce_sum3A_63 : vector<1xf32> to vector<1x1xf32>
    %reduce_sum3A_65 = vector.extract %reduce_sum3A_64[0, 0] : f32 from vector<1x1xf32>
    %eq3A_66 = arith.constant 6 : i32
    %eq3A_67 = vector.broadcast %eq3A_66 : i32 to vector<16xi32>
    %eq3A_68 = arith.cmpi eq, %iota3A_3, %eq3A_67 : vector<16xi32>
    %jit3A_69 = arith.constant 0.000000e+00 : f32
    %broadcast_in_dim3A_70 = vector.broadcast %jit3A_69 : f32 to vector<16xf32>
    %select_n3A_71 = arith.select %eq3A_68, %reduce_sum3A_2, %broadcast_in_dim3A_70 : vector<16xi1>, vector<16xf32>
    %reduce_sum3A_72 = vector.shape_cast %select_n3A_71 : vector<16xf32> to vector<1x16xf32>
    %reduce_sum3A_73 = arith.constant dense<0.000000e+00> : vector<1xf32>
    %reduce_sum3A_74 = vector.multi_reduction <add>, %reduce_sum3A_72, %reduce_sum3A_73 [1] : vector<1x16xf32> to vector<1xf32>
    %reduce_sum3A_75 = vector.shape_cast %reduce_sum3A_74 : vector<1xf32> to vector<1x1xf32>
    %reduce_sum3A_76 = vector.extract %reduce_sum3A_75[0, 0] : f32 from vector<1x1xf32>
    %eq3A_77 = arith.constant 7 : i32
    %eq3A_78 = vector.broadcast %eq3A_77 : i32 to vector<16xi32>
    %eq3A_79 = arith.cmpi eq, %iota3A_3, %eq3A_78 : vector<16xi32>
    %jit3A_80 = arith.constant 0.000000e+00 : f32
    %broadcast_in_dim3A_81 = vector.broadcast %jit3A_80 : f32 to vector<16xf32>
    %select_n3A_82 = arith.select %eq3A_79, %reduce_sum3A_2, %broadcast_in_dim3A_81 : vector<16xi1>, vector<16xf32>
    %reduce_sum3A_83 = vector.shape_cast %select_n3A_82 : vector<16xf32> to vector<1x16xf32>
    %reduce_sum3A_84 = arith.constant dense<0.000000e+00> : vector<1xf32>
    %reduce_sum3A_85 = vector.multi_reduction <add>, %reduce_sum3A_83, %reduce_sum3A_84 [1] : vector<1x16xf32> to vector<1xf32>
    %reduce_sum3A_86 = vector.shape_cast %reduce_sum3A_85 : vector<1xf32> to vector<1x1xf32>
    %reduce_sum3A_87 = vector.extract %reduce_sum3A_86[0, 0] : f32 from vector<1x1xf32>
    %eq3A_88 = arith.constant 8 : i32
    %eq3A_89 = vector.broadcast %eq3A_88 : i32 to vector<16xi32>
    %eq3A_90 = arith.cmpi eq, %iota3A_3, %eq3A_89 : vector<16xi32>
    %jit3A_91 = arith.constant 0.000000e+00 : f32
    %broadcast_in_dim3A_92 = vector.broadcast %jit3A_91 : f32 to vector<16xf32>
    %select_n3A_93 = arith.select %eq3A_90, %reduce_sum3A_2, %broadcast_in_dim3A_92 : vector<16xi1>, vector<16xf32>
    %reduce_sum3A_94 = vector.shape_cast %select_n3A_93 : vector<16xf32> to vector<1x16xf32>
    %reduce_sum3A_95 = arith.constant dense<0.000000e+00> : vector<1xf32>
    %reduce_sum3A_96 = vector.multi_reduction <add>, %reduce_sum3A_94, %reduce_sum3A_95 [1] : vector<1x16xf32> to vector<1xf32>
    %reduce_sum3A_97 = vector.shape_cast %reduce_sum3A_96 : vector<1xf32> to vector<1x1xf32>
    %reduce_sum3A_98 = vector.extract %reduce_sum3A_97[0, 0] : f32 from vector<1x1xf32>
    %eq3A_99 = arith.constant 9 : i32
    %eq3A_100 = vector.broadcast %eq3A_99 : i32 to vector<16xi32>
    %eq3A_101 = arith.cmpi eq, %iota3A_3, %eq3A_100 : vector<16xi32>
    %jit3A_102 = arith.constant 0.000000e+00 : f32
    %broadcast_in_dim3A_103 = vector.broadcast %jit3A_102 : f32 to vector<16xf32>
    %select_n3A_104 = arith.select %eq3A_101, %reduce_sum3A_2, %broadcast_in_dim3A_103 : vector<16xi1>, vector<16xf32>
    %reduce_sum3A_105 = vector.shape_cast %select_n3A_104 : vector<16xf32> to vector<1x16xf32>
    %reduce_sum3A_106 = arith.constant dense<0.000000e+00> : vector<1xf32>
    %reduce_sum3A_107 = vector.multi_reduction <add>, %reduce_sum3A_105, %reduce_sum3A_106 [1] : vector<1x16xf32> to vector<1xf32>
    %reduce_sum3A_108 = vector.shape_cast %reduce_sum3A_107 : vector<1xf32> to vector<1x1xf32>
    %reduce_sum3A_109 = vector.extract %reduce_sum3A_108[0, 0] : f32 from vector<1x1xf32>
    %eq3A_110 = arith.constant 10 : i32
    %eq3A_111 = vector.broadcast %eq3A_110 : i32 to vector<16xi32>
    %eq3A_112 = arith.cmpi eq, %iota3A_3, %eq3A_111 : vector<16xi32>
    %jit3A_113 = arith.constant 0.000000e+00 : f32
    %broadcast_in_dim3A_114 = vector.broadcast %jit3A_113 : f32 to vector<16xf32>
    %select_n3A_115 = arith.select %eq3A_112, %reduce_sum3A_2, %broadcast_in_dim3A_114 : vector<16xi1>, vector<16xf32>
    %reduce_sum3A_116 = vector.shape_cast %select_n3A_115 : vector<16xf32> to vector<1x16xf32>
    %reduce_sum3A_117 = arith.constant dense<0.000000e+00> : vector<1xf32>
    %reduce_sum3A_118 = vector.multi_reduction <add>, %reduce_sum3A_116, %reduce_sum3A_117 [1] : vector<1x16xf32> to vector<1xf32>
    %reduce_sum3A_119 = vector.shape_cast %reduce_sum3A_118 : vector<1xf32> to vector<1x1xf32>
    %reduce_sum3A_120 = vector.extract %reduce_sum3A_119[0, 0] : f32 from vector<1x1xf32>
    %eq3A_121 = arith.constant 11 : i32
    %eq3A_122 = vector.broadcast %eq3A_121 : i32 to vector<16xi32>
    %eq3A_123 = arith.cmpi eq, %iota3A_3, %eq3A_122 : vector<16xi32>
    %jit3A_124 = arith.constant 0.000000e+00 : f32
    %broadcast_in_dim3A_125 = vector.broadcast %jit3A_124 : f32 to vector<16xf32>
    %select_n3A_126 = arith.select %eq3A_123, %reduce_sum3A_2, %broadcast_in_dim3A_125 : vector<16xi1>, vector<16xf32>
    %reduce_sum3A_127 = vector.shape_cast %select_n3A_126 : vector<16xf32> to vector<1x16xf32>
    %reduce_sum3A_128 = arith.constant dense<0.000000e+00> : vector<1xf32>
    %reduce_sum3A_129 = vector.multi_reduction <add>, %reduce_sum3A_127, %reduce_sum3A_128 [1] : vector<1x16xf32> to vector<1xf32>
    %reduce_sum3A_130 = vector.shape_cast %reduce_sum3A_129 : vector<1xf32> to vector<1x1xf32>
    %reduce_sum3A_131 = vector.extract %reduce_sum3A_130[0, 0] : f32 from vector<1x1xf32>
    %eq3A_132 = arith.constant 12 : i32
    %eq3A_133 = vector.broadcast %eq3A_132 : i32 to vector<16xi32>
    %eq3A_134 = arith.cmpi eq, %iota3A_3, %eq3A_133 : vector<16xi32>
    %jit3A_135 = arith.constant 0.000000e+00 : f32
    %broadcast_in_dim3A_136 = vector.broadcast %jit3A_135 : f32 to vector<16xf32>
    %select_n3A_137 = arith.select %eq3A_134, %reduce_sum3A_2, %broadcast_in_dim3A_136 : vector<16xi1>, vector<16xf32>
    %reduce_sum3A_138 = vector.shape_cast %select_n3A_137 : vector<16xf32> to vector<1x16xf32>
    %reduce_sum3A_139 = arith.constant dense<0.000000e+00> : vector<1xf32>
    %reduce_sum3A_140 = vector.multi_reduction <add>, %reduce_sum3A_138, %reduce_sum3A_139 [1] : vector<1x16xf32> to vector<1xf32>
    %reduce_sum3A_141 = vector.shape_cast %reduce_sum3A_140 : vector<1xf32> to vector<1x1xf32>
    %reduce_sum3A_142 = vector.extract %reduce_sum3A_141[0, 0] : f32 from vector<1x1xf32>
    %eq3A_143 = arith.constant 13 : i32
    %eq3A_144 = vector.broadcast %eq3A_143 : i32 to vector<16xi32>
    %eq3A_145 = arith.cmpi eq, %iota3A_3, %eq3A_144 : vector<16xi32>
    %jit3A_146 = arith.constant 0.000000e+00 : f32
    %broadcast_in_dim3A_147 = vector.broadcast %jit3A_146 : f32 to vector<16xf32>
    %select_n3A_148 = arith.select %eq3A_145, %reduce_sum3A_2, %broadcast_in_dim3A_147 : vector<16xi1>, vector<16xf32>
    %reduce_sum3A_149 = vector.shape_cast %select_n3A_148 : vector<16xf32> to vector<1x16xf32>
    %reduce_sum3A_150 = arith.constant dense<0.000000e+00> : vector<1xf32>
    %reduce_sum3A_151 = vector.multi_reduction <add>, %reduce_sum3A_149, %reduce_sum3A_150 [1] : vector<1x16xf32> to vector<1xf32>
    %reduce_sum3A_152 = vector.shape_cast %reduce_sum3A_151 : vector<1xf32> to vector<1x1xf32>
    %reduce_sum3A_153 = vector.extract %reduce_sum3A_152[0, 0] : f32 from vector<1x1xf32>
    %eq3A_154 = arith.constant 14 : i32
    %eq3A_155 = vector.broadcast %eq3A_154 : i32 to vector<16xi32>
    %eq3A_156 = arith.cmpi eq, %iota3A_3, %eq3A_155 : vector<16xi32>
    %jit3A_157 = arith.constant 0.000000e+00 : f32
    %broadcast_in_dim3A_158 = vector.broadcast %jit3A_157 : f32 to vector<16xf32>
    %select_n3A_159 = arith.select %eq3A_156, %reduce_sum3A_2, %broadcast_in_dim3A_158 : vector<16xi1>, vector<16xf32>
    %reduce_sum3A_160 = vector.shape_cast %select_n3A_159 : vector<16xf32> to vector<1x16xf32>
    %reduce_sum3A_161 = arith.constant dense<0.000000e+00> : vector<1xf32>
    %reduce_sum3A_162 = vector.multi_reduction <add>, %reduce_sum3A_160, %reduce_sum3A_161 [1] : vector<1x16xf32> to vector<1xf32>
    %reduce_sum3A_163 = vector.shape_cast %reduce_sum3A_162 : vector<1xf32> to vector<1x1xf32>
    %reduce_sum3A_164 = vector.extract %reduce_sum3A_163[0, 0] : f32 from vector<1x1xf32>
    %eq3A_165 = arith.constant 15 : i32
    %eq3A_166 = vector.broadcast %eq3A_165 : i32 to vector<16xi32>
    %eq3A_167 = arith.cmpi eq, %iota3A_3, %eq3A_166 : vector<16xi32>
    %jit3A_168 = arith.constant 0.000000e+00 : f32
    %broadcast_in_dim3A_169 = vector.broadcast %jit3A_168 : f32 to vector<16xf32>
    %select_n3A_170 = arith.select %eq3A_167, %reduce_sum3A_2, %broadcast_in_dim3A_169 : vector<16xi1>, vector<16xf32>
    %reduce_sum3A_171 = vector.shape_cast %select_n3A_170 : vector<16xf32> to vector<1x16xf32>
    %reduce_sum3A_172 = arith.constant dense<0.000000e+00> : vector<1xf32>
    %reduce_sum3A_173 = vector.multi_reduction <add>, %reduce_sum3A_171, %reduce_sum3A_172 [1] : vector<1x16xf32> to vector<1xf32>
    %reduce_sum3A_174 = vector.shape_cast %reduce_sum3A_173 : vector<1xf32> to vector<1x1xf32>
    %reduce_sum3A_175 = vector.extract %reduce_sum3A_174[0, 0] : f32 from vector<1x1xf32>
    %broadcast_in_dim3A_176 = arith.constant 0.000000e+00 : f32
    %broadcast_in_dim3A_177 = vector.broadcast %broadcast_in_dim3A_176 : f32 to vector<32x20xf32>
    %scan3A = arith.constant 0 : i32
    %scan3A_178 = arith.constant 128 : i32
    %scan3A_179 = arith.addi %scan3A, %scan3A_178 : i32
    %scan3A_180 = arith.constant 1 : i32
    %scan3A_181 = scf.for %scan3A_190 = %scan3A to %scan3A_179 step %scan3A_180 iter_args(%scan3A_191 = %broadcast_in_dim3A_177) -> (vector<32x20xf32>)  : i32 {
      %mul3A = arith.constant 32 : i32
      %mul3A_192 = arith.muli %scan3A_190, %mul3A : i32
      %get3A_193 = arith.index_cast %mul3A_192 : i32 to index
      %get3A_194 = arith.constant 0 : index
      %get3A_195 = vector.load %arg0[%get3A_193, %get3A_194] : memref<4096x20xi32, #tpu.memory_space<vmem>>, vector<32x20xi32>
      %and3A = arith.constant 1 : i32
      %and3A_196 = vector.broadcast %and3A : i32 to vector<32x20xi32>
      %and3A_197 = arith.andi %get3A_195, %and3A_196 : vector<32x20xi32>
      %ne3A = arith.constant 0 : i32
      %ne3A_198 = vector.broadcast %ne3A : i32 to vector<32x20xi32>
      %ne3A_199 = arith.cmpi ne, %and3A_197, %ne3A_198 : vector<32x20xi32>
      %and3A_200 = arith.constant 2 : i32
      %and3A_201 = vector.broadcast %and3A_200 : i32 to vector<32x20xi32>
      %and3A_202 = arith.andi %get3A_195, %and3A_201 : vector<32x20xi32>
      %ne3A_203 = arith.constant 0 : i32
      %ne3A_204 = vector.broadcast %ne3A_203 : i32 to vector<32x20xi32>
      %ne3A_205 = arith.cmpi ne, %and3A_202, %ne3A_204 : vector<32x20xi32>
      %and3A_206 = arith.constant 4 : i32
      %and3A_207 = vector.broadcast %and3A_206 : i32 to vector<32x20xi32>
      %and3A_208 = arith.andi %get3A_195, %and3A_207 : vector<32x20xi32>
      %ne3A_209 = arith.constant 0 : i32
      %ne3A_210 = vector.broadcast %ne3A_209 : i32 to vector<32x20xi32>
      %ne3A_211 = arith.cmpi ne, %and3A_208, %ne3A_210 : vector<32x20xi32>
      %and3A_212 = arith.constant 8 : i32
      %and3A_213 = vector.broadcast %and3A_212 : i32 to vector<32x20xi32>
      %and3A_214 = arith.andi %get3A_195, %and3A_213 : vector<32x20xi32>
      %ne3A_215 = arith.constant 0 : i32
      %ne3A_216 = vector.broadcast %ne3A_215 : i32 to vector<32x20xi32>
      %ne3A_217 = arith.cmpi ne, %and3A_214, %ne3A_216 : vector<32x20xi32>
      %broadcast_in_dim3A_218 = vector.broadcast %reduce_sum3A_21 : f32 to vector<32x20xf32>
      %broadcast_in_dim3A_219 = vector.broadcast %reduce_sum3A_10 : f32 to vector<32x20xf32>
      %select_n3A_220 = arith.select %ne3A_199, %broadcast_in_dim3A_218, %broadcast_in_dim3A_219 : vector<32x20xi1>, vector<32x20xf32>
      %broadcast_in_dim3A_221 = vector.broadcast %reduce_sum3A_43 : f32 to vector<32x20xf32>
      %broadcast_in_dim3A_222 = vector.broadcast %reduce_sum3A_32 : f32 to vector<32x20xf32>
      %select_n3A_223 = arith.select %ne3A_199, %broadcast_in_dim3A_221, %broadcast_in_dim3A_222 : vector<32x20xi1>, vector<32x20xf32>
      %broadcast_in_dim3A_224 = vector.broadcast %reduce_sum3A_65 : f32 to vector<32x20xf32>
      %broadcast_in_dim3A_225 = vector.broadcast %reduce_sum3A_54 : f32 to vector<32x20xf32>
      %select_n3A_226 = arith.select %ne3A_199, %broadcast_in_dim3A_224, %broadcast_in_dim3A_225 : vector<32x20xi1>, vector<32x20xf32>
      %broadcast_in_dim3A_227 = vector.broadcast %reduce_sum3A_87 : f32 to vector<32x20xf32>
      %broadcast_in_dim3A_228 = vector.broadcast %reduce_sum3A_76 : f32 to vector<32x20xf32>
      %select_n3A_229 = arith.select %ne3A_199, %broadcast_in_dim3A_227, %broadcast_in_dim3A_228 : vector<32x20xi1>, vector<32x20xf32>
      %broadcast_in_dim3A_230 = vector.broadcast %reduce_sum3A_109 : f32 to vector<32x20xf32>
      %broadcast_in_dim3A_231 = vector.broadcast %reduce_sum3A_98 : f32 to vector<32x20xf32>
      %select_n3A_232 = arith.select %ne3A_199, %broadcast_in_dim3A_230, %broadcast_in_dim3A_231 : vector<32x20xi1>, vector<32x20xf32>
      %broadcast_in_dim3A_233 = vector.broadcast %reduce_sum3A_131 : f32 to vector<32x20xf32>
      %broadcast_in_dim3A_234 = vector.broadcast %reduce_sum3A_120 : f32 to vector<32x20xf32>
      %select_n3A_235 = arith.select %ne3A_199, %broadcast_in_dim3A_233, %broadcast_in_dim3A_234 : vector<32x20xi1>, vector<32x20xf32>
      %broadcast_in_dim3A_236 = vector.broadcast %reduce_sum3A_153 : f32 to vector<32x20xf32>
      %broadcast_in_dim3A_237 = vector.broadcast %reduce_sum3A_142 : f32 to vector<32x20xf32>
      %select_n3A_238 = arith.select %ne3A_199, %broadcast_in_dim3A_236, %broadcast_in_dim3A_237 : vector<32x20xi1>, vector<32x20xf32>
      %broadcast_in_dim3A_239 = vector.broadcast %reduce_sum3A_175 : f32 to vector<32x20xf32>
      %broadcast_in_dim3A_240 = vector.broadcast %reduce_sum3A_164 : f32 to vector<32x20xf32>
      %select_n3A_241 = arith.select %ne3A_199, %broadcast_in_dim3A_239, %broadcast_in_dim3A_240 : vector<32x20xi1>, vector<32x20xf32>
      %select_n3A_242 = arith.select %ne3A_205, %select_n3A_223, %select_n3A_220 : vector<32x20xi1>, vector<32x20xf32>
      %select_n3A_243 = arith.select %ne3A_205, %select_n3A_229, %select_n3A_226 : vector<32x20xi1>, vector<32x20xf32>
      %select_n3A_244 = arith.select %ne3A_205, %select_n3A_235, %select_n3A_232 : vector<32x20xi1>, vector<32x20xf32>
      %select_n3A_245 = arith.select %ne3A_205, %select_n3A_241, %select_n3A_238 : vector<32x20xi1>, vector<32x20xf32>
      %select_n3A_246 = arith.select %ne3A_211, %select_n3A_243, %select_n3A_242 : vector<32x20xi1>, vector<32x20xf32>
      %select_n3A_247 = arith.select %ne3A_211, %select_n3A_245, %select_n3A_244 : vector<32x20xi1>, vector<32x20xf32>
      %select_n3A_248 = arith.select %ne3A_217, %select_n3A_247, %select_n3A_246 : vector<32x20xi1>, vector<32x20xf32>
      %add3A = arith.addf %scan3A_191, %select_n3A_248 : vector<32x20xf32>
      scf.yield %add3A : vector<32x20xf32>
    }
    %scan3A_182 = arith.constant 128 : i32
    %reduce_sum3A_183 = vector.shape_cast %scan3A_181 : vector<32x20xf32> to vector<1x32x20xf32>
    %reduce_sum3A_184 = arith.constant dense<0.000000e+00> : vector<1xf32>
    %reduce_sum3A_185 = vector.multi_reduction <add>, %reduce_sum3A_183, %reduce_sum3A_184 [1, 2] : vector<1x32x20xf32> to vector<1xf32>
    %reduce_sum3A_186 = vector.shape_cast %reduce_sum3A_185 : vector<1xf32> to vector<1x1x1xf32>
    %reduce_sum3A_187 = vector.extract %reduce_sum3A_186[0, 0, 0] : f32 from vector<1x1x1xf32>
    %swap3A = arith.constant 0 : index
    %swap3A_188 = arith.constant 0 : index
    %swap3A_189 = memref.load %arg2[%swap3A, %swap3A_188] : memref<1x1xf32, #tpu.memory_space<smem>>
    memref.store %reduce_sum3A_187, %arg2[%swap3A, %swap3A_188] : memref<1x1xf32, #tpu.memory_space<smem>>
    return
  }
}

</mosaic_0001>

<sc_bundles>
// kernel: kernel.5.cloned.1.call-start
scs
__scs_entry_jumppad:
0x0: {  	(pc) =	sbr.rel $0x88, $3  }
0x1: {  	(tag) =	ssettag $0x0;
	lr =	simm.s32 $0x1  }
0x2: {  	[smem:$0x3F9D] =	sst lr;
	_ =	strace $0xD0000000  }
0x3: {  	_ = 	snop  }
0x4: {  	_ = 	snop  }
0x5: {  	_ = 	snop  }
0x6: {  	_ = 	snop  }
0x7: {  	_ = 	snop  }
__scs_overlays_trampoline_lowered:
0x8: {  	[smem:$0x3FAC] =	sst s0  }
0x9: {  	[smem:$0x3FAD] =	sst s1  }
0xa: {  	[smem:$0x3FAE] =	sst s2  }
0xb: {  	[smem:$0x3FAF] =	sst s3  }
0xc: {  	[smem:$0x3FB0] =	sst s4  }
0xd: {  	[smem:$0x3FB1] =	sst s5  }
0xe: {  	[smem:$0x3FB2] =	sst s6  }
0xf: {  	[smem:$0x3FB3] =	sst s7  }
0x10: {  	[smem:$0x3FB4] =	sst s8  }
0x11: {  	[smem:$0x3FB5] =	sst s9;
	s0 =	simm.s32 @!p0 $0x0  }
0x12: {  	s1 =	sld [smem:$0x3F9B];
	s0 =	simm.s32 @p0 $0x1  }
0x13: {  	[smem:$0x3FB6] =	sst s0;
	s0 =	simm.s32 @!p1 $0x0  }
0x14: {  	s2 =	sld [smem:$0x3F9A];
	s0 =	simm.s32 @p1 $0x1  }
0x15: {  	[smem:$0x3FB7] =	sst s0;
	s0 =	simm.s32 @!p2 $0x0  }
0x16: {  	s3 =	sld [smem:$0x3FDB];
	s0 =	simm.s32 @p2 $0x1  }
0x17: {  	s4 =	simm.s32 $0x1BF5;
	[smem:$0x3FB9] =	sst s0  }
0x18: {  	s0 =	sld [smem:$0x3F9C];
	_ =	swait.ge [sflag:s4], $0x0  }
0x19: {  	s7 =	sld [smem:$0x3F9D]  }
0x1a: {  	s8 =	sadd.s32 $0xFFFFE003, lr  }
0x1b: {  	s9 =	sadd.s32 $0xFFFFFEF7, lr;
	s5 =	simm.s32 $0xFFFFFFFF;
	p2 =	slt.u32 s8, $0xFFFFF086  }
0x1c: {  	p1 =	slt.u32 s9, $0xF7A;
	s5 =	simm.s32 @!p2 $0x0  }
0x1d: {  	s5 =	simm.s32 @p1 $0x1;
	p0 =	seq.s32 s7, s2  }
0x1e: {  	s7 =	smul.u32 @!p0 $0xF7A, s2;
	p2 =	seq.s32 @!p0 s5, $0x0  }
0x1f: {  	s9 =	smul.u32 $0xF7A, s1;
	s8 =	simm.s32 @!p0 $0x1BF5;
	p2 =	por !p2, p0  }
0x20: {  	[sflag:s8] =	ssyncset.s32 @!p0 $0xFFFFF086;
	s6 =	sadd.s32 @!p0 s3, s7;
	s7 =	simm.s32 @!p0 $0x108  }
0x21: {  	s3 =	sadd.s32 s3, s9;
	s6 =	sadd.s32 @!p0 $0x88, s6;
	s7 =	simm.s32 @p2 $0x1082  }
0x22: {  	[simem:s7], [sflag:s8] =	dma.local @!p0 [hbm:s6], $0xF7A  }
0x23: {  	s9 =	sor.u32 $0xD0000000, s2;
	s6 =	simm.s32 $0x108;
	_ =	swait.ge @!p0 [sflag:s8], $0x0  }
0x24: {  	s3 =	sadd.s32 $0x88, s3;
	s6 =	simm.s32 @!p1 $0x1082;
	[sflag:s4] =	ssyncset.s32 $0xFFFFF086  }
0x25: {  	[simem:s6], [sflag:s4] =	dma.local [hbm:s3], $0xF7A  }
0x26: {  	[smem:$0x3F9D] =	sst s1;
	(tag) =	ssettag s2;
	_ =	strace s9  }
0x27: {  	s1 =	sld [smem:$0x3FAD]  }
0x28: {  	s2 =	sld [smem:$0x3FAE]  }
0x29: {  	s4 =	sld [smem:$0x3FB0]  }
0x2a: {  	p0 =	seq.s32 s5, $0x0;
	s5 =	sld [smem:$0x3FB1]  }
0x2b: {  	s6 =	sld [smem:$0x3FB2]  }
0x2c: {  	s7 =	sld [smem:$0x3FB3]  }
0x2d: {  	s3 =	simm.s32 $0x108;
	s8 =	sld [smem:$0x3FB4]  }
0x2e: {  	s3 =	simm.s32 @!p0 $0x1082;
	s9 =	sld [smem:$0x3FB5]  }
0x2f: {  	lr =	sadd.s32 s0, s3;
	s0 =	sld [smem:$0x3FAC]  }
0x30: {  	s3 =	sld [smem:$0x3FAF]  }
0x31: {  	[smem:$0x3FB8] =	sst s10  }
0x32: {  	s10 =	sld [smem:$0x3FB6];
	_ =	sdelay $0x3  }
0x33: {  	p0 =	seq.s32 s10, $0x1;
	s10 =	sld [smem:$0x3FB8];
	_ =	sdelay $0x3  }
0x34: {  	[smem:$0x3FB8] =	sst s10  }
0x35: {  	s10 =	sld [smem:$0x3FB7];
	_ =	sdelay $0x3  }
0x36: {  	p1 =	seq.s32 s10, $0x1;
	s10 =	sld [smem:$0x3FB8];
	_ =	sdelay $0x3  }
0x37: {  	[smem:$0x3FB8] =	sst s10  }
0x38: {  	s10 =	sld [smem:$0x3FB9]  }
0x39: {  	_ = 	snop;
	(pc) =	sbr.ind lr, $3  }
0x3a: {  	_ = 	snop  }
0x3b: {  	_ = 	snop  }
0x3c: {  	p2 =	seq.s32 s10, $0x1;
	s10 =	sld [smem:$0x3FB8]  }
0x3d: {  	_ =	shalt  }
0x3e: {  	_ =	shalt  }
0x3f: {  	_ =	shalt  }
0x40: {  	_ =	shalt  }
0x41: {  	_ =	shalt  }
0x42: {  	_ =	shalt  }
0x43: {  	_ =	shalt  }
0x44: {  	_ =	shalt  }
0x45: {  	_ =	shalt  }
0x46: {  	_ =	shalt  }
0x47: {  	_ =	shalt  }
0x48: {  	_ =	shalt  }
0x49: {  	_ =	shalt  }
0x4a: {  	_ =	shalt  }
0x4b: {  	_ =	shalt  }
0x4c: {  	_ =	shalt  }
0x4d: {  	_ =	shalt  }
0x4e: {  	_ =	shalt  }
0x4f: {  	_ =	shalt  }
0x50: {  	_ =	shalt  }
0x51: {  	_ =	shalt  }
0x52: {  	_ =	shalt  }
0x53: {  	_ =	shalt  }
0x54: {  	_ =	shalt  }
0x55: {  	_ =	shalt  }
0x56: {  	_ =	shalt  }
0x57: {  	_ =	shalt  }
0x58: {  	_ =	shalt  }
0x59: {  	_ =	shalt  }
0x5a: {  	_ =	shalt  }
0x5b: {  	_ =	shalt  }
0x5c: {  	_ =	shalt  }
0x5d: {  	_ =	shalt  }
0x5e: {  	_ =	shalt  }
0x5f: {  	_ =	shalt  }
0x60: {  	_ =	shalt  }
0x61: {  	_ =	shalt  }
0x62: {  	_ =	shalt  }
0x63: {  	_ =	shalt  }
0x64: {  	_ =	shalt  }
0x65: {  	_ =	shalt  }
0x66: {  	_ =	shalt  }
0x67: {  	_ =	shalt  }
0x68: {  	_ =	shalt  }
0x69: {  	_ =	shalt  }
0x6a: {  	_ =	shalt  }
0x6b: {  	_ =	shalt  }
0x6c: {  	_ =	shalt  }
0x6d: {  	_ =	shalt  }
0x6e: {  	_ =	shalt  }
0x6f: {  	_ =	shalt  }
0x70: {  	_ =	shalt  }
0x71: {  	_ =	shalt  }
0x72: {  	_ =	shalt  }
0x73: {  	_ =	shalt  }
0x74: {  	_ =	shalt  }
0x75: {  	_ =	shalt  }
0x76: {  	_ =	shalt  }
0x77: {  	_ =	shalt  }
0x78: {  	_ =	shalt  }
0x79: {  	_ =	shalt  }
0x7a: {  	_ =	shalt  }
0x7b: {  	_ =	shalt  }
0x7c: {  	_ =	shalt  }
0x7d: {  	_ =	shalt  }
0x7e: {  	_ =	shalt  }
0x7f: {  	_ =	shalt  }
0x80: {  	_ =	shalt  }
0x81: {  	_ =	shalt  }
0x82: {  	_ =	shalt  }
0x83: {  	_ =	shalt  }
0x84: {  	_ =	shalt  }
0x85: {  	_ =	shalt  }
0x86: {  	_ =	shalt  }
0x87: {  	_ =	shalt  }
.Lfunc_end0:
.L_simem_size_0:
called_computation_lowered:
.L_overlay_start_0:
0x88: {  	s2 =	sld [smem:$0x3FD9]  }
0x89: {  	s3 =	sld [smem:$0x3FFE];
	_ =	sdelay $0x1  }
0x8a: {  	s1 =	srdreg.scid  }
0x8b: {  	s0 =	sand.u32 $0x1, s1  }
0x8c: {  	s17 =	sshll.u32 s0, $0xA;
	s2 =	sadd.s32 s3, s2  }
0x8d: {  	s2 =	sadd.s32 s2, s17  }
0x8e: {  	[smem:$0x3FC4] =	sst s2  }
0x8f: {  	_ = 	snop  }
0x90: {  	s2 =	sld [smem:$0x3FC6];
	(tm) =	ssettm $0x1  }
0x91: {  	s18 =	sld [smem:$0x3FFB];
	_ =	sdelay $0x3  }
0x92: {  	_ =	strace s18  }
0x93: {  	s3 =	sld [smem:$0x3FFC];
	_ =	sdelay $0x3  }
0x94: {  	_ =	strace s3  }
0x95: {  	s3 =	sld [smem:$0x3FFD];
	_ =	sdelay $0x3  }
0x96: {  	_ =	strace s3  }
0x97: {  	_ =	strace $0x8FFFFFFF  }
0x98: {  	s19 =	sld [smem:$0x3FDB];
	_ =	sdelay $0x1  }
0x99: {  	s4 =	simm.s32 $_scs_section_size  }
0x9a: {  	s5 =	simm.s32 $_size__tile_overlayer_lowered;
	s6 =	simm.s32 $_tile_overlayer_lowered  }
0x9b: {  	s22 =	simm.s32 $0x1BFF;
	s21 =	sshll.u32 s6, $0x1;
	s3 =	sadd.s32 s4, s19  }
0x9c: {  	s7 =	simm.s32 $0x0;
	s20 =	sshll.u32 s5, $0x1;
	s5 =	sadd.s32 s21, s3  }
0x9d: {  	[timem:s7], [sflag:s22] =	dma.local [hbm:s5], s20  }
0x9e: {  	_ =	swait.ge [sflag:s22], s20  }
0x9f: {  	s4 =	ssub.s32 $0x0, s20;
	[sflag:s22] =	ssyncset.done $0x0  }
0xa0: {  	[sflag:s22] =	ssyncadd.s32 s4;
	_ =	sdelay $0x1  }
0xa1: {  	s23 =	simm.s32 $0x1B8B  }
0xa2: {  	_ =	swait.ge [sflag:s23], $0x1  }
0xa3: {  	[sflag:s23] =	ssyncset.done $0x0  }
0xa4: {  	s25 =	simm.s32 $0x1B8E;
	s24 =	sld [smem:$0x3FFE];
	[sflag:s23] =	ssyncadd.s32 $0xFFFFFFFF  }
0xa5: {  	s26 =	simm.s32 $execute0_lowered;
	[smem:$0x3FD2] =	sst s25  }
0xa6: {  	s5 =	sshll.u32 s26, $0x1;
	_ =	strace $0x80000046;
	[dreg:$0x1] =	wrdreg $0xFFFFFFFF  }
0xa7: {  	s28 =	simm.s32 $_size_execute0_lowered;
	s3 =	sadd.s32 s3, s5;
	[dreg:$0x0] =	wrdreg $0x0  }
0xa8: {  	s5 =	sshll.u32 s28, $0x1;
	[dreg:$0x2] =	wrdreg s3  }
0xa9: {  	[dreg:$0x3] =	wrdreg s5  }
0xaa: {  	[dreg:$0x4] =	wrdreg $0xC0  }
0xab: {  	_ =	task [dreg:s7], $0x5FFFF  }
0xac: {  	[dreg:$0x1] =	wrdreg $0xFFFFFFFF  }
0xad: {  	[dreg:$0x0] =	wrdreg $0x60  }
0xae: {  	[dreg:$0x2] =	wrdreg s2  }
0xaf: {  	[dreg:$0x3] =	wrdreg s24  }
0xb0: {  	[dreg:$0x4] =	wrdreg $0x9  }
0xb1: {  	_ =	task.clear_ibuf [dreg:s7], $0x5FFFF;
	_ =	strace $0x90000046  }
0xb2: {  	s29 =	simm.s32 $0x9;
	_ =	strace $0x80000048  }
0xb3: {  	_ =	swait.ge [sflag:s29], $0x1  }
0xb4: {  	[sflag:s29] =	ssyncadd.s32 $0xFFFFFFFF  }
0xb5: {  	_ =	strace $0x90000048  }
0xb6: {  	_ =	sfence  }
0xb7: {  	s30 =	sld [smem:$0x0];
	_ =	sdelay $0x2  }
0xb8: {  	s31 =	sshll.u32 s1, $0xD;
	s1 =	sshrl.u32 s1, $0x2  }
0xb9: {  	s3 =	sand.u32 $0x4000, s31;
	s1 =	sadd.s32 s1, s30  }
0xba: {  	s0 =	sor.u32 s3, s0;
	s1 =	sshll.u32 s1, $0x11  }
0xbb: {  	s0 =	sor.u32 s1, s0  }
0xbc: {  	s0 =	sadd.s32 $0x8F2B, s0  }
0xbd: {  	[sflag:s0] =	ssyncadd.remote.s32 $0x1  }
0xbe: {  	_ =	sfence.sel $0xFFFF  }
0xbf: {  	[dreg:$0x0] =	wrdreg $0xFFFFFFFF;
	(pc) =	sbr.abs _section_cstart, $3  }
0xc0: {  	[dreg:$0x1] =	wrdreg $0xFFFFFFFF  }
0xc1: {  	_ =	task.clear_ibuf [dreg:s7], $0x2FFFF;
	_ =	strace $0x9FFFFFFF  }
0xc2: {  	(tm) =	ssettm $0x7FFFFFFF  }
0xc3: {  	_ =	shalt  }
tec
execute0_lowered:
.L_overlay_start_1:
0x0: {  	(tag) =	ssettag $0x1  }
0x1: {  	s2 =	rddreg [dreg:$0x0]  }
0x2: {  	s4 =	rddreg [dreg:$0x1]  }
0x3: {  	s0 =	rddreg [dreg:$0x2];
	s5 =	srdreg.scid  }
0x4: {  	s1 =	stileid.u32;
	s3 =	simm.s32 $0x0;
	s9 =	simm.s32 $0x1  }
0x5: {  	s10 =	simm.s32 $0x5000;
	s11 =	simm.s32 $0x5080;
	s12 =	simm.s32 $0x3  }
0x6: {  	s5 =	sand.u32 $0x1, s5;
	s6 =	sshll.u32 s1, $0x1;
	[smem:$0x7FF] =	sst s3  }
0x7: {  	s13 =	simm.s32 $0x0;
	s6 =	sor.u32 s5, s6;
	_ =	strace $0x80000047  }
0x8: {  	s5 =	ssub.s32 $0x2, s5;
	s7 =	sshll.u32 s6, $0xB;
	s6 =	sshll.u32 s6, $0x4  }
0x9: {  	s8 =	sshrl.u32 s5, $0x1;
	s7 =	sadd.s32 s7, s4;
	s6 =	sadd.s32 s6, s4  }
0xa: {  	s8 =	ssub.s32 s5, s8;
	s4 =	sadd.s32 $0xA00, s7;
	s5 =	sadd.s32 $0x10A00, s6  }
0xb: {  	v0 =	vimm.s32 $0x0;
	s6 =	smax.u32 s8, $0x1;
	s7 =	simm.s32 $0x4000;
	s8 =	simm.s32 $0x2  }
.LBB2_1:
0xc: {  	v1 =	vlaneseq.u32  }
0xd: {  	[tilespmem:s3], [sflag:$0x1] =	stream.linear.gather [hbm4b:s4+s3], $0x4000, $0x38;
	v2 =	vmul.u32 $0x80, v1;
	[tilespmem:$0x5100] =	vst v63  }
0xe: {  	_ = 	snop  }
0xf: {  	[tilespmem:s7], [sflag:$0x2] =	stream.linear.gather [hbm4b:s2+s3], $0x1000, $0x38;
	v3 =	vor.u32 $0x1, v2;
	[tilespmem:$0x5100] =	vst v63  }
0x10: {  	_ =	swait.ge [sflag:s8], $0x1000;
	v4 =	vor.u32 $0x2, v2  }
0x11: {  	v5 =	vor.u32 $0x3, v2;
	[sflag:s8] =	ssyncset.done $0x0  }
0x12: {  	v6 =	vor.u32 $0x4, v2;
	[sflag:s8] =	ssyncadd.s32 $0xFFFFF000  }
0x13: {  	v8 =	vor.u32 $0x5, v2;
	v7 =	vld.idx.msk [tilespmem:v2+s7+$0x0], $0xffff  }
0x14: {  	v9 =	vor.u32 $0x6, v2;
	v3 =	vld.idx.msk [tilespmem:v3+s7+$0x0], $0xffff  }
0x15: {  	v10 =	vor.u32 $0x7, v2;
	v4 =	vld.idx.msk [tilespmem:v4+s7+$0x0], $0xffff  }
0x16: {  	v11 =	vor.u32 $0x8, v2;
	v5 =	vld.idx.msk [tilespmem:v5+s7+$0x0], $0xffff  }
0x17: {  	v12 =	vor.u32 $0x9, v2;
	v6 =	vld.idx.msk [tilespmem:v6+s7+$0x0], $0xffff  }
0x18: {  	v13 =	vor.u32 $0xA, v2;
	v8 =	vld.idx.msk [tilespmem:v8+s7+$0x0], $0xffff  }
0x19: {  	v14 =	vor.u32 $0xB, v2;
	v9 =	vld.idx.msk [tilespmem:v9+s7+$0x0], $0xffff  }
0x1a: {  	v15 =	vor.u32 $0xC, v2;
	v10 =	vld.idx.msk [tilespmem:v10+s7+$0x0], $0xffff  }
0x1b: {  	v16 =	vor.u32 $0xD, v2;
	v11 =	vld.idx.msk [tilespmem:v11+s7+$0x0], $0xffff  }
0x1c: {  	v17 =	vor.u32 $0xE, v2;
	v12 =	vld.idx.msk [tilespmem:v12+s7+$0x0], $0xffff  }
0x1d: {  	v18 =	vor.u32 $0xF, v2;
	v13 =	vld.idx.msk [tilespmem:v13+s7+$0x0], $0xffff  }
0x1e: {  	v19 =	vor.u32 $0x10, v2;
	v14 =	vld.idx.msk [tilespmem:v14+s7+$0x0], $0xffff  }
0x1f: {  	v20 =	vor.u32 $0x11, v2;
	v15 =	vld.idx.msk [tilespmem:v15+s7+$0x0], $0xffff  }
0x20: {  	v21 =	vor.u32 $0x12, v2;
	v16 =	vld.idx.msk [tilespmem:v16+s7+$0x0], $0xffff  }
0x21: {  	v22 =	vor.u32 $0x13, v2;
	v17 =	vld.idx.msk [tilespmem:v17+s7+$0x0], $0xffff  }
0x22: {  	v23 =	vor.u32 $0x14, v2;
	v18 =	vld.idx.msk [tilespmem:v18+s7+$0x0], $0xffff  }
0x23: {  	v24 =	vor.u32 $0x15, v2;
	v19 =	vld.idx.msk [tilespmem:v19+s7+$0x0], $0xffff  }
0x24: {  	v25 =	vor.u32 $0x16, v2;
	v20 =	vld.idx.msk [tilespmem:v20+s7+$0x0], $0xffff  }
0x25: {  	v26 =	vor.u32 $0x17, v2;
	v21 =	vld.idx.msk [tilespmem:v21+s7+$0x0], $0xffff  }
0x26: {  	v27 =	vor.u32 $0x18, v2;
	v22 =	vld.idx.msk [tilespmem:v22+s7+$0x0], $0xffff  }
0x27: {  	v28 =	vor.u32 $0x19, v2;
	v23 =	vld.idx.msk [tilespmem:v23+s7+$0x0], $0xffff  }
0x28: {  	v29 =	vor.u32 $0x1A, v2;
	v24 =	vld.idx.msk [tilespmem:v24+s7+$0x0], $0xffff  }
0x29: {  	v30 =	vor.u32 $0x1B, v2;
	v25 =	vld.idx.msk [tilespmem:v25+s7+$0x0], $0xffff  }
0x2a: {  	v31 =	vor.u32 $0x1C, v2;
	v26 =	vld.idx.msk [tilespmem:v26+s7+$0x0], $0xffff  }
0x2b: {  	v32 =	vor.u32 $0x1D, v2;
	v27 =	vld.idx.msk [tilespmem:v27+s7+$0x0], $0xffff  }
0x2c: {  	v33 =	vor.u32 $0x1E, v2;
	v28 =	vld.idx.msk [tilespmem:v28+s7+$0x0], $0xffff  }
0x2d: {  	v34 =	vor.u32 $0x1F, v2;
	v29 =	vld.idx.msk [tilespmem:v29+s7+$0x0], $0xffff  }
0x2e: {  	v35 =	vor.u32 $0x20, v2;
	v30 =	vld.idx.msk [tilespmem:v30+s7+$0x0], $0xffff  }
0x2f: {  	v36 =	vor.u32 $0x21, v2;
	v31 =	vld.idx.msk [tilespmem:v31+s7+$0x0], $0xffff  }
0x30: {  	v37 =	vor.u32 $0x22, v2;
	v32 =	vld.idx.msk [tilespmem:v32+s7+$0x0], $0xffff  }
0x31: {  	v38 =	vor.u32 $0x23, v2;
	v33 =	vld.idx.msk [tilespmem:v33+s7+$0x0], $0xffff  }
0x32: {  	v39 =	vor.u32 $0x24, v2;
	v34 =	vld.idx.msk [tilespmem:v34+s7+$0x0], $0xffff  }
0x33: {  	v40 =	vor.u32 $0x25, v2;
	v35 =	vld.idx.msk [tilespmem:v35+s7+$0x0], $0xffff  }
0x34: {  	v41 =	vor.u32 $0x26, v2;
	v36 =	vld.idx.msk [tilespmem:v36+s7+$0x0], $0xffff  }
0x35: {  	v42 =	vor.u32 $0x27, v2;
	v37 =	vld.idx.msk [tilespmem:v37+s7+$0x0], $0xffff  }
0x36: {  	v43 =	vor.u32 $0x28, v2;
	v38 =	vld.idx.msk [tilespmem:v38+s7+$0x0], $0xffff  }
0x37: {  	v44 =	vor.u32 $0x29, v2;
	v39 =	vld.idx.msk [tilespmem:v39+s7+$0x0], $0xffff  }
0x38: {  	v45 =	vor.u32 $0x2A, v2;
	v40 =	vld.idx.msk [tilespmem:v40+s7+$0x0], $0xffff;
	v7 =	vadd.f32 $0.0e+00, v7;
	v3 =	vadd.f32 $0.0e+00, v3  }
0x39: {  	v46 =	vor.u32 $0x2B, v2;
	v41 =	vld.idx.msk [tilespmem:v41+s7+$0x0], $0xffff;
	v4 =	vadd.f32 $0.0e+00, v4;
	v5 =	vadd.f32 $0.0e+00, v5  }
0x3a: {  	v6 =	vadd.f32 v6, v7;
	v7 =	vld.idx.msk [tilespmem:v42+s7+$0x0], $0xffff;
	v3 =	vadd.f32 v8, v3;
	v8 =	vor.u32 $0x2C, v2  }
0x3b: {  	v4 =	vadd.f32 v9, v4;
	v5 =	vadd.f32 v10, v5;
	v9 =	vld.idx.msk [tilespmem:v43+s7+$0x0], $0xffff;
	v10 =	vor.u32 $0x2D, v2  }
0x3c: {  	v6 =	vadd.f32 v11, v6;
	v11 =	vld.idx.msk [tilespmem:v44+s7+$0x0], $0xffff;
	v3 =	vadd.f32 v12, v3;
	v12 =	vor.u32 $0x2E, v2  }
0x3d: {  	v4 =	vadd.f32 v13, v4;
	v5 =	vadd.f32 v14, v5;
	v13 =	vld.idx.msk [tilespmem:v45+s7+$0x0], $0xffff;
	v14 =	vor.u32 $0x2F, v2  }
0x3e: {  	v6 =	vadd.f32 v15, v6;
	v15 =	vld.idx.msk [tilespmem:v46+s7+$0x0], $0xffff;
	v3 =	vadd.f32 v16, v3;
	v16 =	vor.u32 $0x30, v2  }
0x3f: {  	v4 =	vadd.f32 v17, v4;
	v5 =	vadd.f32 v18, v5;
	v17 =	vor.u32 $0x31, v2;
	v8 =	vld.idx.msk [tilespmem:v8+s7+$0x0], $0xffff  }
0x40: {  	v18 =	vor.u32 $0x32, v2;
	v6 =	vadd.f32 v19, v6;
	v10 =	vld.idx.msk [tilespmem:v10+s7+$0x0], $0xffff;
	v3 =	vadd.f32 v20, v3  }
0x41: {  	v19 =	vor.u32 $0x33, v2;
	v4 =	vadd.f32 v21, v4;
	v5 =	vadd.f32 v22, v5;
	v12 =	vld.idx.msk [tilespmem:v12+s7+$0x0], $0xffff  }
0x42: {  	v20 =	vor.u32 $0x34, v2;
	v6 =	vadd.f32 v23, v6;
	v14 =	vld.idx.msk [tilespmem:v14+s7+$0x0], $0xffff;
	v3 =	vadd.f32 v24, v3  }
0x43: {  	v21 =	vor.u32 $0x35, v2;
	v4 =	vadd.f32 v25, v4;
	v5 =	vadd.f32 v26, v5;
	v16 =	vld.idx.msk [tilespmem:v16+s7+$0x0], $0xffff  }
0x44: {  	v22 =	vor.u32 $0x36, v2;
	v6 =	vadd.f32 v27, v6;
	v17 =	vld.idx.msk [tilespmem:v17+s7+$0x0], $0xffff;
	v3 =	vadd.f32 v28, v3  }
0x45: {  	v23 =	vor.u32 $0x37, v2;
	v18 =	vld.idx.msk [tilespmem:v18+s7+$0x0], $0xffff;
	v4 =	vadd.f32 v29, v4;
	v5 =	vadd.f32 v30, v5  }
0x46: {  	v61 =	vor.u32 $0x38, v2;
	v19 =	vld.idx.msk [tilespmem:v19+s7+$0x0], $0xffff;
	v6 =	vadd.f32 v31, v6;
	v3 =	vadd.f32 v32, v3  }
0x47: {  	v62 =	vor.u32 $0x39, v2;
	v20 =	vld.idx.msk [tilespmem:v20+s7+$0x0], $0xffff;
	v4 =	vadd.f32 v33, v4;
	v5 =	vadd.f32 v34, v5  }
0x48: {  	v63 =	vor.u32 $0x3A, v2;
	v21 =	vld.idx.msk [tilespmem:v21+s7+$0x0], $0xffff;
	v6 =	vadd.f32 v35, v6;
	v3 =	vadd.f32 v36, v3  }
0x49: {  	v22 =	vld.idx.msk [tilespmem:v22+s7+$0x0], $0xffff;
	v32 =	vor.u32 $0x3B, v2;
	v4 =	vadd.f32 v37, v4;
	v5 =	vadd.f32 v38, v5  }
0x4a: {  	v23 =	vld.idx.msk [tilespmem:v23+s7+$0x0], $0xffff;
	v33 =	vor.u32 $0x3C, v2;
	v6 =	vadd.f32 v39, v6;
	v3 =	vadd.f32 v40, v3  }
0x4b: {  	v34 =	vor.u32 $0x3D, v2;
	v4 =	vadd.f32 v41, v4;
	v5 =	vadd.f32 v7, v5;
	v7 =	vld.idx.msk [tilespmem:v61+s7+$0x0], $0xffff  }
0x4c: {  	v6 =	vadd.f32 v9, v6;
	v9 =	vld.idx.msk [tilespmem:v62+s7+$0x0], $0xffff;
	v3 =	vadd.f32 v11, v3;
	v11 =	vor.u32 $0x3E, v2  }
0x4d: {  	v4 =	vadd.f32 v13, v4;
	v5 =	vadd.f32 v15, v5;
	v13 =	vld.idx.msk [tilespmem:v63+s7+$0x0], $0xffff;
	v15 =	vor.u32 $0x3F, v2  }
0x4e: {  	v6 =	vadd.f32 v8, v6;
	v8 =	vld.idx.msk [tilespmem:v32+s7+$0x0], $0xffff;
	v3 =	vadd.f32 v10, v3  }
0x4f: {  	v4 =	vadd.f32 v12, v4;
	v5 =	vadd.f32 v14, v5;
	v10 =	vld.idx.msk [tilespmem:v33+s7+$0x0], $0xffff  }
0x50: {  	v12 =	vld.idx.msk [tilespmem:v34+s7+$0x0], $0xffff;
	v6 =	vadd.f32 v16, v6;
	v3 =	vadd.f32 v17, v3  }
0x51: {  	v4 =	vadd.f32 v18, v4;
	v5 =	vadd.f32 v19, v5;
	v11 =	vld.idx.msk [tilespmem:v11+s7+$0x0], $0xffff  }
0x52: {  	v6 =	vadd.f32 v20, v6;
	v14 =	vld.idx.msk [tilespmem:v15+s7+$0x0], $0xffff;
	v3 =	vadd.f32 v21, v3  }
0x53: {  	v4 =	vadd.f32 v22, v4;
	v5 =	vadd.f32 v23, v5  }
0x54: {  	v6 =	vadd.f32 v7, v6;
	v3 =	vadd.f32 v9, v3  }
0x55: {  	v4 =	vadd.f32 v13, v4;
	v5 =	vadd.f32 v8, v5  }
0x56: {  	v6 =	vadd.f32 v10, v6;
	v3 =	vadd.f32 v12, v3  }
0x57: {  	v4 =	vadd.f32 v11, v4;
	v5 =	vadd.f32 v14, v5;
	_ =	sdelay $0x1  }
0x58: {  	v3 =	vadd.f32 v3, v6;
	v4 =	vadd.f32 v5, v4;
	v5 =	vor.u32 $0x800, v2  }
0x59: {  	v6 =	vor.u32 $0x801, v2  }
0x5a: {  	v7 =	vor.u32 $0x803, v2;
	v3 =	vadd.f32 v4, v3  }
0x5b: {  	v8 =	vor.u32 $0x805, v2  }
0x5c: {  	v9 =	vor.u32 $0x806, v2;
	[tilespmem:$0x5000] =	vst v3  }
0x5d: {  	v10 =	vor.u32 $0x807, v2;
	v5 =	vld.idx.msk [tilespmem:v5+s7+$0x0], $0xffff  }
0x5e: {  	v11 =	vor.u32 $0x808, v2;
	v6 =	vld.idx.msk [tilespmem:v6+s7+$0x0], $0xffff  }
0x5f: {  	v12 =	vor.u32 $0x809, v2;
	v7 =	vld.idx.msk [tilespmem:v7+s7+$0x0], $0xffff  }
0x60: {  	v13 =	vor.u32 $0x80A, v2;
	v8 =	vld.idx.msk [tilespmem:v8+s7+$0x0], $0xffff  }
0x61: {  	v14 =	vor.u32 $0x80B, v2;
	v9 =	vld.idx.msk [tilespmem:v9+s7+$0x0], $0xffff  }
0x62: {  	v15 =	vor.u32 $0x80C, v2;
	v10 =	vld.idx.msk [tilespmem:v10+s7+$0x0], $0xffff  }
0x63: {  	v16 =	vor.u32 $0x80D, v2;
	v11 =	vld.idx.msk [tilespmem:v11+s7+$0x0], $0xffff  }
0x64: {  	v17 =	vor.u32 $0x80E, v2;
	v12 =	vld.idx.msk [tilespmem:v12+s7+$0x0], $0xffff  }
0x65: {  	v18 =	vor.u32 $0x80F, v2;
	v13 =	vld.idx.msk [tilespmem:v13+s7+$0x0], $0xffff  }
0x66: {  	v19 =	vor.u32 $0x810, v2;
	v14 =	vld.idx.msk [tilespmem:v14+s7+$0x0], $0xffff  }
0x67: {  	v20 =	vor.u32 $0x811, v2;
	v15 =	vld.idx.msk [tilespmem:v15+s7+$0x0], $0xffff  }
0x68: {  	v21 =	vor.u32 $0x812, v2;
	v16 =	vld.idx.msk [tilespmem:v16+s7+$0x0], $0xffff  }
0x69: {  	v22 =	vor.u32 $0x813, v2;
	v17 =	vld.idx.msk [tilespmem:v17+s7+$0x0], $0xffff  }
0x6a: {  	v23 =	vor.u32 $0x814, v2;
	v18 =	vld.idx.msk [tilespmem:v18+s7+$0x0], $0xffff  }
0x6b: {  	v35 =	vor.u32 $0x815, v2;
	v19 =	vld.idx.msk [tilespmem:v19+s7+$0x0], $0xffff  }
0x6c: {  	v36 =	vor.u32 $0x816, v2;
	v20 =	vld.idx.msk [tilespmem:v20+s7+$0x0], $0xffff  }
0x6d: {  	v37 =	vor.u32 $0x817, v2;
	v21 =	vld.idx.msk [tilespmem:v21+s7+$0x0], $0xffff  }
0x6e: {  	v38 =	vor.u32 $0x818, v2;
	v22 =	vld.idx.msk [tilespmem:v22+s7+$0x0], $0xffff  }
0x6f: {  	v39 =	vor.u32 $0x819, v2;
	v23 =	vld.idx.msk [tilespmem:v23+s7+$0x0], $0xffff  }
0x70: {  	v40 =	vor.u32 $0x81A, v2;
	v24 =	vld.idx.msk [tilespmem:v35+s7+$0x0], $0xffff  }
0x71: {  	v41 =	vor.u32 $0x81B, v2;
	v25 =	vld.idx.msk [tilespmem:v36+s7+$0x0], $0xffff  }
0x72: {  	v42 =	vor.u32 $0x81C, v2;
	v26 =	vld.idx.msk [tilespmem:v37+s7+$0x0], $0xffff  }
0x73: {  	v43 =	vor.u32 $0x81D, v2;
	v27 =	vld.idx.msk [tilespmem:v38+s7+$0x0], $0xffff  }
0x74: {  	v44 =	vor.u32 $0x81E, v2;
	v28 =	vld.idx.msk [tilespmem:v39+s7+$0x0], $0xffff  }
0x75: {  	v45 =	vor.u32 $0x81F, v2;
	v29 =	vld.idx.msk [tilespmem:v40+s7+$0x0], $0xffff  }
0x76: {  	v46 =	vor.u32 $0x820, v2;
	v30 =	vld.idx.msk [tilespmem:v41+s7+$0x0], $0xffff  }
0x77: {  	v47 =	vor.u32 $0x821, v2;
	v31 =	vld.idx.msk [tilespmem:v42+s7+$0x0], $0xffff  }
0x78: {  	v48 =	vor.u32 $0x822, v2;
	v32 =	vld.idx.msk [tilespmem:v43+s7+$0x0], $0xffff  }
0x79: {  	v4 =	vor.u32 $0x802, v2;
	v33 =	vld.idx.msk [tilespmem:v44+s7+$0x0], $0xffff  }
0x7a: {  	v3 =	vor.u32 $0x804, v2;
	v34 =	vld.idx.msk [tilespmem:v45+s7+$0x0], $0xffff  }
0x7b: {  	v49 =	vor.u32 $0x823, v2;
	v35 =	vld.idx.msk [tilespmem:v46+s7+$0x0], $0xffff  }
0x7c: {  	v50 =	vor.u32 $0x824, v2;
	v36 =	vld.idx.msk [tilespmem:v47+s7+$0x0], $0xffff  }
0x7d: {  	v51 =	vor.u32 $0x825, v2;
	v37 =	vld.idx.msk [tilespmem:v48+s7+$0x0], $0xffff  }
0x7e: {  	v52 =	vor.u32 $0x826, v2;
	v4 =	vld.idx.msk [tilespmem:v4+s7+$0x0], $0xffff  }
0x7f: {  	v53 =	vor.u32 $0x827, v2;
	v3 =	vld.idx.msk [tilespmem:v3+s7+$0x0], $0xffff  }
0x80: {  	v54 =	vor.u32 $0x828, v2;
	v38 =	vld.idx.msk [tilespmem:v49+s7+$0x0], $0xffff  }
0x81: {  	v55 =	vor.u32 $0x829, v2;
	v39 =	vld.idx.msk [tilespmem:v50+s7+$0x0], $0xffff;
	v7 =	vadd.f32 $0.0e+00, v7  }
0x82: {  	v56 =	vor.u32 $0x82A, v2;
	v40 =	vld.idx.msk [tilespmem:v51+s7+$0x0], $0xffff;
	v5 =	vadd.f32 $0.0e+00, v5;
	v6 =	vadd.f32 $0.0e+00, v6  }
0x83: {  	v41 =	vld.idx.msk [tilespmem:v52+s7+$0x0], $0xffff;
	v4 =	vadd.f32 $0.0e+00, v4;
	v7 =	vadd.f32 v10, v7;
	v10 =	vor.u32 $0x82D, v2  }
0x84: {  	v57 =	vor.u32 $0x82B, v2;
	v3 =	vadd.f32 v3, v5;
	v5 =	vadd.f32 v8, v6;
	v6 =	vld.idx.msk [tilespmem:v53+s7+$0x0], $0xffff  }
0x85: {  	v8 =	vor.u32 $0x82C, v2;
	v4 =	vadd.f32 v9, v4;
	v9 =	vld.idx.msk [tilespmem:v54+s7+$0x0], $0xffff;
	v7 =	vadd.f32 v14, v7  }
0x86: {  	v14 =	vor.u32 $0x82F, v2;
	v3 =	vadd.f32 v11, v3;
	v5 =	vadd.f32 v12, v5;
	v11 =	vld.idx.msk [tilespmem:v55+s7+$0x0], $0xffff  }
0x87: {  	v12 =	vor.u32 $0x82E, v2;
	v4 =	vadd.f32 v13, v4;
	v13 =	vld.idx.msk [tilespmem:v56+s7+$0x0], $0xffff;
	v7 =	vadd.f32 v18, v7  }
0x88: {  	v18 =	vor.u32 $0x832, v2;
	v10 =	vld.idx.msk [tilespmem:v10+s7+$0x0], $0xffff;
	v3 =	vadd.f32 v15, v3;
	v5 =	vadd.f32 v16, v5  }
0x89: {  	v15 =	vld.idx.msk [tilespmem:v57+s7+$0x0], $0xffff;
	v16 =	vor.u32 $0x830, v2;
	v4 =	vadd.f32 v17, v4  }
0x8a: {  	v17 =	vor.u32 $0x831, v2;
	v8 =	vld.idx.msk [tilespmem:v8+s7+$0x0], $0xffff;
	v3 =	vadd.f32 v19, v3;
	v5 =	vadd.f32 v20, v5  }
0x8b: {  	v7 =	vadd.f32 v22, v7;
	v22 =	vor.u32 $0x836, v2;
	v14 =	vld.idx.msk [tilespmem:v14+s7+$0x0], $0xffff;
	v4 =	vadd.f32 v21, v4  }
0x8c: {  	v19 =	vor.u32 $0x833, v2;
	v12 =	vld.idx.msk [tilespmem:v12+s7+$0x0], $0xffff;
	v3 =	vadd.f32 v23, v3;
	v5 =	vadd.f32 v24, v5  }
0x8d: {  	v20 =	vor.u32 $0x834, v2;
	v7 =	vadd.f32 v26, v7;
	v18 =	vld.idx.msk [tilespmem:v18+s7+$0x0], $0xffff;
	v4 =	vadd.f32 v25, v4  }
0x8e: {  	v21 =	vor.u32 $0x835, v2;
	v16 =	vld.idx.msk [tilespmem:v16+s7+$0x0], $0xffff;
	v3 =	vadd.f32 v27, v3;
	v5 =	vadd.f32 v28, v5  }
0x8f: {  	v7 =	vadd.f32 v30, v7;
	v23 =	vor.u32 $0x837, v2;
	v17 =	vld.idx.msk [tilespmem:v17+s7+$0x0], $0xffff;
	v4 =	vadd.f32 v29, v4  }
0x90: {  	v58 =	vor.u32 $0x838, v2;
	v22 =	vld.idx.msk [tilespmem:v22+s7+$0x0], $0xffff;
	v3 =	vadd.f32 v31, v3;
	v5 =	vadd.f32 v32, v5  }
0x91: {  	v59 =	vor.u32 $0x839, v2;
	v7 =	vadd.f32 v34, v7;
	v19 =	vld.idx.msk [tilespmem:v19+s7+$0x0], $0xffff;
	v4 =	vadd.f32 v33, v4  }
0x92: {  	v60 =	vor.u32 $0x83A, v2;
	v20 =	vld.idx.msk [tilespmem:v20+s7+$0x0], $0xffff;
	v3 =	vadd.f32 v35, v3;
	v5 =	vadd.f32 v36, v5  }
0x93: {  	v61 =	vor.u32 $0x83B, v2;
	v21 =	vld.idx.msk [tilespmem:v21+s7+$0x0], $0xffff;
	v7 =	vadd.f32 v38, v7;
	v4 =	vadd.f32 v37, v4  }
0x94: {  	v62 =	vor.u32 $0x83C, v2;
	v23 =	vld.idx.msk [tilespmem:v23+s7+$0x0], $0xffff;
	v3 =	vadd.f32 v39, v3;
	v5 =	vadd.f32 v40, v5  }
0x95: {  	v63 =	vor.u32 $0x83D, v2;
	v6 =	vadd.f32 v6, v7;
	v7 =	vld.idx.msk [tilespmem:v58+s7+$0x0], $0xffff;
	v4 =	vadd.f32 v41, v4  }
0x96: {  	v3 =	vadd.f32 v9, v3;
	v5 =	vadd.f32 v11, v5;
	v9 =	vld.idx.msk [tilespmem:v59+s7+$0x0], $0xffff;
	v11 =	vor.u32 $0x83E, v2  }
0x97: {  	v6 =	vadd.f32 v15, v6;
	v4 =	vadd.f32 v13, v4;
	v13 =	vld.idx.msk [tilespmem:v60+s7+$0x0], $0xffff;
	v2 =	vor.u32 $0x83F, v2  }
0x98: {  	v3 =	vadd.f32 v8, v3;
	v5 =	vadd.f32 v10, v5;
	v8 =	vld.idx.msk [tilespmem:v61+s7+$0x0], $0xffff  }
0x99: {  	v6 =	vadd.f32 v14, v6;
	v4 =	vadd.f32 v12, v4;
	v10 =	vld.idx.msk [tilespmem:v62+s7+$0x0], $0xffff  }
0x9a: {  	v12 =	vld.idx.msk [tilespmem:v63+s7+$0x0], $0xffff;
	v3 =	vadd.f32 v16, v3;
	v5 =	vadd.f32 v17, v5  }
0x9b: {  	v6 =	vadd.f32 v19, v6;
	v4 =	vadd.f32 v18, v4;
	v11 =	vld.idx.msk [tilespmem:v11+s7+$0x0], $0xffff  }
0x9c: {  	v2 =	vld.idx.msk [tilespmem:v2+s7+$0x0], $0xffff;
	v3 =	vadd.f32 v20, v3;
	v5 =	vadd.f32 v21, v5  }
0x9d: {  	v6 =	vadd.f32 v23, v6;
	v4 =	vadd.f32 v22, v4  }
0x9e: {  	v3 =	vadd.f32 v7, v3;
	v5 =	vadd.f32 v9, v5  }
0x9f: {  	v6 =	vadd.f32 v8, v6;
	v4 =	vadd.f32 v13, v4  }
0xa0: {  	v3 =	vadd.f32 v10, v3;
	v5 =	vadd.f32 v12, v5  }
0xa1: {  	v4 =	vadd.f32 v11, v4;
	v2 =	vadd.f32 v2, v6;
	_ =	sdelay $0x1  }
0xa2: {  	v3 =	vadd.f32 v5, v3;
	v2 =	vadd.f32 v2, v4  }
0xa3: {  	v6 =	vshll.u32 v0, $0x7;
	v4 =	vadd.s32 $0x10, v1;
	v5 =	vand.u32 $0xFFFFFF80, v1  }
0xa4: {  	vm0 =	vgt.s32 v4, $0x13;
	v2 =	vadd.f32 v2, v3;
	v3 =	vadd.s32 $0xFFFFFFFC, v1  }
0xa5: {  	v1 =	vand.u32 $0x7F, v1;
	v3 =	vsel vm0, v3, v4;
	v4 =	vadd.s32 v6, v5  }
0xa6: {  	v5 =	vadd.s32 $0x10, v3;
	v4 =	vor.u32 v1, v4  }
0xa7: {  	v1 =	vadd.s32 $0xFFFFFFFC, v3;
	v9 =	vand.u32 $0x7F, v3;
	vm1 =	vgt.s32 v5, $0x13  }
0xa8: {  	[tilespmem:$0x5010] =	vst v2;
	v3 =	vand.u32 $0xFFFFFF80, v3;
	v2 =	vsel vm1, v1, v5;
	v5 =	vsel vm0, $0x1, v0  }
0xa9: {  	_ =	swait.ge [sflag:s9], $0x4000;
	v1 =	vimm.f32 $0.0e+00;
	v7 =	vsel vm1, $0x1, v0;
	v6 =	vadd.s32 $0x10, v2  }
0xaa: {  	[sflag:s9] =	ssyncset.done $0x0;
	v8 =	vadd.s32 $0xFFFFFFFC, v2;
	v5 =	vadd.s32 v5, v0;
	v13 =	vand.u32 $0x7F, v2  }
0xab: {  	[sflag:s9] =	ssyncadd.s32 $0xFFFFC000;
	v2 =	vand.u32 $0xFFFFFF80, v2;
	vm7 =	vgt.s32 v6, $0x13;
	v7 =	vadd.s32 v7, v5  }
0xac: {  	v5 =	vshll.u32 v5, $0x7;
	v6 =	vsel vm7, v8, v6;
	v4 =	vld.idx.msk [tilespmem:v4+s3+$0x0], $0xffff;
	v8 =	vsel vm7, $0x1, v0  }
0xad: {  	v3 =	vadd.s32 v3, v5;
	v10 =	vadd.s32 $0x10, v6;
	v11 =	vadd.s32 $0xFFFFFFFC, v6  }
0xae: {  	v12 =	vand.u32 $0xFFFFFF80, v6;
	v6 =	vand.u32 $0x7F, v6;
	vm8 =	vgt.s32 v10, $0x13  }
0xaf: {  	v3 =	vor.u32 v9, v3;
	v10 =	vsel vm8, v11, v10;
	v14 =	vsel vm8, $0x1, v0  }
0xb0: {  	v11 =	vadd.s32 $0x10, v10;
	v15 =	vadd.s32 $0xFFFFFFFC, v10;
	v20 =	vand.u32 $0xFFFFFF80, v10  }
0xb1: {  	v10 =	vand.u32 $0x7F, v10;
	vm9 =	vgt.s32 v11, $0x13;
	v4 =	vand.u32 $0x1F, v4  }
0xb2: {  	v11 =	vsel vm9, v15, v11;
	v15 =	vshll.u32 v7, $0x7;
	v7 =	vadd.s32 v8, v7  }
0xb3: {  	v16 =	vsel vm9, $0x1, v0;
	v8 =	vadd.s32 $0x10, v11;
	v17 =	vadd.s32 $0xFFFFFFFC, v11  }
0xb4: {  	v2 =	vadd.s32 v2, v15;
	v14 =	vadd.s32 v14, v7;
	v7 =	vshll.u32 v7, $0x7  }
0xb5: {  	vm10 =	vgt.s32 v8, $0x13;
	v2 =	vor.u32 v13, v2;
	v13 =	vadd.s32 v16, v14  }
0xb6: {  	v16 =	vand.u32 $0xFFFFFF80, v11;
	v11 =	vand.u32 $0x7F, v11;
	v7 =	vadd.s32 v12, v7  }
0xb7: {  	v14 =	vshll.u32 v14, $0x7;
	v8 =	vsel vm10, v17, v8;
	v15 =	vsel vm10, $0x1, v0  }
0xb8: {  	v6 =	vor.u32 v6, v7;
	v17 =	vadd.s32 $0x10, v8;
	v15 =	vadd.s32 v15, v13  }
0xb9: {  	v18 =	vadd.s32 $0xFFFFFFFC, v8;
	v5 =	vand.u32 $0x7F, v8;
	vm11 =	vgt.s32 v17, $0x13  }
0xba: {  	v8 =	vand.u32 $0xFFFFFF80, v8;
	v13 =	vshll.u32 v13, $0x7;
	v19 =	vsel vm11, $0x1, v0  }
0xbb: {  	v13 =	vadd.s32 v16, v13;
	v17 =	vsel vm11, v18, v17;
	v19 =	vadd.s32 v19, v15;
	v2 =	vld.idx.msk [tilespmem:v2+s3+$0x0], $0xffff  }
0xbc: {  	v21 =	vadd.s32 $0x10, v17;
	v12 =	vadd.s32 $0xFFFFFFFC, v17;
	v22 =	vand.u32 $0x7F, v17  }
0xbd: {  	v17 =	vand.u32 $0xFFFFFF80, v17;
	v15 =	vshll.u32 v15, $0x7;
	v18 =	vshll.u32 v19, $0x7  }
0xbe: {  	vm12 =	vgt.s32 v21, $0x13;
	v8 =	vadd.s32 v8, v15;
	v7 =	vadd.s32 v17, v18  }
0xbf: {  	v12 =	vsel vm12, v12, v21;
	v21 =	vsel vm12, $0x1, v0;
	v7 =	vor.u32 v22, v7  }
0xc0: {  	v9 =	vadd.s32 v21, v19;
	v17 =	vand.u32 $0x1F, v2;
	v2 =	vadd.s32 v20, v14  }
0xc1: {  	v4 =	vld.idx.msk [tilespmem:v4+s10+$0x0], $0xffff;
	v15 =	vadd.s32 $0xFFFFFFFC, v12;
	v10 =	vor.u32 v10, v2;
	v2 =	vor.u32 v5, v8  }
0xc2: {  	v14 =	vshll.u32 v9, $0x7;
	v5 =	vand.u32 $0xFFFFFF80, v12;
	v8 =	vadd.s32 $0x10, v12  }
0xc3: {  	v12 =	vand.u32 $0x7F, v12;
	vm13 =	vgt.s32 v8, $0x13;
	v5 =	vadd.s32 v14, v5  }
0xc4: {  	v8 =	vsel vm13, v15, v8;
	v12 =	vor.u32 v12, v5;
	v14 =	vsel vm13, $0x1, v0;
	v23 =	vld.idx.msk [tilespmem:v7+s3+$0x0], $0xffff  }
0xc5: {  	v18 =	vld.idx.msk [tilespmem:v6+s3+$0x0], $0xffff;
	v5 =	vadd.s32 $0x10, v8;
	v6 =	vadd.s32 $0xFFFFFFFC, v8;
	v19 =	vadd.s32 v14, v9  }
0xc6: {  	vm14 =	vgt.s32 v5, $0x13;
	v21 =	vld.idx.msk [tilespmem:v2+s3+$0x0], $0xffff;
	v2 =	vadd.f32 v4, v1;
	v4 =	vor.u32 v11, v13  }
0xc7: {  	v15 =	vsel vm14, v6, v5;
	v5 =	vand.u32 $0x7F, v8;
	v7 =	vsel vm14, $0x1, v0;
	v6 =	vld.idx.msk [tilespmem:v17+s10+$0x0], $0xffff  }
0xc8: {  	v8 =	vand.u32 $0xFFFFFF80, v8;
	v17 =	vld.idx.msk [tilespmem:v3+s3+$0x0], $0xffff;
	v3 =	vimm.f32 $0.0e+00;
	v11 =	vadd.s32 $0x10, v15  }
0xc9: {  	v13 =	vadd.s32 $0xFFFFFFFC, v15;
	vm15 =	vgt.s32 v11, $0x13;
	v9 =	vld.idx.msk [tilespmem:v12+s3+$0x0], $0xffff;
	v12 =	vand.u32 $0x1F, v23  }
0xca: {  	v20 =	vsel vm15, v13, v11;
	v16 =	vsel vm15, $0x1, v0;
	v13 =	vand.u32 $0x1F, v18  }
0xcb: {  	v10 =	vld.idx.msk [tilespmem:v10+s3+$0x0], $0xffff;
	v18 =	vadd.s32 v7, v19;
	v7 =	vand.u32 $0xFFFFFF80, v20;
	v14 =	vand.u32 $0x1F, v21  }
0xcc: {  	s14 =	simm.s32 $0x12;
	v22 =	vadd.s32 $0xFFFFFFFC, v20;
	v11 =	vld.idx.msk [tilespmem:v4+s3+$0x0], $0xffff;
	v21 =	vadd.s32 $0x10, v20;
	v4 =	vimm.f32 $0.0e+00  }
.LBB2_2:
0xcd: {  	p0 =	sne.s32 s14, $0x1;
	s14 =	sadd.s32 $0xFFFFFFFF, s14;
	v23 =	vand.u32 $0x7F, v15;
	v20 =	vand.u32 $0x7F, v20;
	v1 =	vadd.f32 v6, v1  }
0xce: {  	v6 =	vshll.u32 v19, $0x7;
	v15 =	vand.u32 $0xFFFFFF80, v15;
	vm0 =	vgt.s32 v21, $0x13  }
0xcf: {  	v17 =	vand.u32 $0x1F, v17;
	v19 =	vsel vm0, v22, v21;
	v21 =	vsel vm0, $0x1, v0;
	v13 =	vld.idx.msk [tilespmem:v13+s10+$0x0], $0xffff  }
0xd0: {  	v9 =	vand.u32 $0x1F, v9;
	v22 =	vshll.u32 v18, $0x7;
	v24 =	vadd.s32 $0x10, v19;
	v14 =	vld.idx.msk [tilespmem:v14+s10+$0x0], $0xffff  }
0xd1: {  	v25 =	vadd.s32 $0xFFFFFFFC, v19;
	vm0 =	vgt.s32 v24, $0x13;
	v11 =	vand.u32 $0x1F, v11  }
0xd2: {  	v16 =	vadd.s32 v16, v18;
	v18 =	vsel vm0, v25, v24;
	v24 =	vsel vm0, $0x1, v0  }
0xd3: {  	v15 =	vadd.s32 v15, v22;
	v22 =	vand.u32 $0xFFFFFF80, v18;
	v25 =	vadd.s32 $0x10, v18  }
0xd4: {  	v10 =	vand.u32 $0x1F, v10;
	v26 =	vadd.s32 $0xFFFFFFFC, v18;
	vm0 =	vgt.s32 v25, $0x13;
	v17 =	vld.idx.msk [tilespmem:v17+s10+$0x0], $0xffff  }
0xd5: {  	v21 =	vadd.s32 v21, v16;
	v25 =	vsel vm0, v26, v25;
	v26 =	vsel vm0, $0x1, v0;
	v12 =	vld.idx.msk [tilespmem:v12+s10+$0x0], $0xffff  }
0xd6: {  	v15 =	vor.u32 v23, v15;
	v23 =	vadd.s32 v24, v21;
	v24 =	vadd.s32 $0x10, v25  }
0xd7: {  	v26 =	vadd.s32 v26, v23;
	v1 =	vadd.f32 v14, v1;
	vm0 =	vgt.s32 v24, $0x13  }
0xd8: {  	v3 =	vadd.f32 v13, v3;
	v14 =	vshll.u32 v16, $0x7;
	v16 =	vadd.s32 $0xFFFFFFFC, v25  }
0xd9: {  	v6 =	vadd.s32 v8, v6;
	v8 =	vand.u32 $0x7F, v25;
	v13 =	vsel vm0, $0x1, v0;
	v11 =	vld.idx.msk [tilespmem:v11+s10+$0x0], $0xffff  }
0xda: {  	v25 =	vand.u32 $0xFFFFFF80, v25;
	v13 =	vadd.s32 v13, v26;
	v4 =	vadd.f32 v17, v4  }
0xdb: {  	v16 =	vsel vm0, v16, v24;
	v17 =	vand.u32 $0xFFFFFF80, v19;
	v3 =	vadd.f32 v12, v3;
	v10 =	vld.idx.msk [tilespmem:v10+s10+$0x0], $0xffff  }
0xdc: {  	v24 =	vadd.s32 $0x10, v16;
	v12 =	vld.idx.msk [tilespmem:v15+s3+$0x0], $0xffff;
	v15 =	vand.u32 $0x7F, v18;
	v18 =	vshll.u32 v13, $0x7  }
0xdd: {  	v23 =	vshll.u32 v23, $0x7;
	v27 =	vand.u32 $0x7F, v16;
	v19 =	vand.u32 $0x7F, v19  }
0xde: {  	v7 =	vadd.s32 v7, v14;
	v14 =	vadd.s32 $0xFFFFFFFC, v16;
	vm0 =	vgt.s32 v24, $0x13  }
0xdf: {  	v16 =	vand.u32 $0xFFFFFF80, v16;
	v14 =	vsel vm0, v14, v24;
	v4 =	vadd.f32 v11, v4  }
0xe0: {  	v24 =	vsel vm0, $0x1, v0;
	v11 =	vshll.u32 v21, $0x7;
	v21 =	vshll.u32 v26, $0x7  }
0xe1: {  	v7 =	vor.u32 v20, v7;
	v16 =	vadd.s32 v16, v18;
	v2 =	vadd.f32 v10, v2  }
0xe2: {  	v11 =	vadd.s32 v17, v11;
	v10 =	vand.u32 $0x1F, v12;
	v12 =	vadd.s32 v25, v21  }
0xe3: {  	v17 =	vor.u32 v5, v6;
	v25 =	vor.u32 v19, v11;
	v5 =	vor.u32 v8, v12;
	v9 =	vld.idx.msk [tilespmem:v9+s10+$0x0], $0xffff  }
0xe4: {  	v6 =	vand.u32 $0xFFFFFF80, v14;
	v11 =	vadd.s32 v24, v13;
	v8 =	vor.u32 v27, v16  }
0xe5: {  	v12 =	vand.u32 $0x7F, v14;
	v13 =	vshll.u32 v11, $0x7;
	v16 =	vadd.s32 $0x10, v14  }
0xe6: {  	v6 =	vadd.s32 v13, v6;
	vm0 =	vgt.s32 v16, $0x13;
	v13 =	vadd.s32 $0xFFFFFFFC, v14  }
0xe7: {  	v12 =	vor.u32 v12, v6;
	v13 =	vsel vm0, v13, v16;
	v14 =	vsel vm0, $0x1, v0;
	v7 =	vld.idx.msk [tilespmem:v7+s3+$0x0], $0xffff  }
0xe8: {  	v18 =	vadd.s32 v22, v23;
	v6 =	vadd.s32 $0x10, v13;
	v16 =	vadd.s32 $0xFFFFFFFC, v13;
	v21 =	vld.idx.msk [tilespmem:v5+s3+$0x0], $0xffff  }
0xe9: {  	v22 =	vor.u32 v15, v18;
	vm0 =	vgt.s32 v6, $0x13;
	v2 =	vadd.f32 v9, v2;
	v23 =	vld.idx.msk [tilespmem:v8+s3+$0x0], $0xffff  }
0xea: {  	v15 =	vsel vm0, v16, v6;
	v18 =	vsel vm0, $0x1, v0;
	v5 =	vand.u32 $0x7F, v13;
	v6 =	vld.idx.msk [tilespmem:v10+s10+$0x0], $0xffff  }
.Ltmp0:
0xeb: {  	v8 =	vand.u32 $0xFFFFFF80, v13;
	v13 =	vadd.s32 $0xFFFFFFFC, v15;
	v10 =	vadd.s32 $0x10, v15;
	v17 =	vld.idx.msk [tilespmem:v17+s3+$0x0], $0xffff;
	(pc) =	sbr.rel @p0 .LBB2_2-.Ltmp0, $4  }
0xec: {  	v19 =	vadd.s32 v14, v11;
	vm0 =	vgt.s32 v10, $0x13;
	v9 =	vld.idx.msk [tilespmem:v12+s3+$0x0], $0xffff  }
0xed: {  	v20 =	vsel vm0, v13, v10;
	v16 =	vsel vm0, $0x1, v0;
	v13 =	vand.u32 $0x1F, v7  }
0xee: {  	v18 =	vadd.s32 v18, v19;
	v7 =	vand.u32 $0xFFFFFF80, v20;
	v14 =	vand.u32 $0x1F, v21;
	v11 =	vld.idx.msk [tilespmem:v22+s3+$0x0], $0xffff  }
0xef: {  	v21 =	vadd.s32 $0x10, v20;
	v22 =	vadd.s32 $0xFFFFFFFC, v20;
	v12 =	vand.u32 $0x1F, v23;
	v10 =	vld.idx.msk [tilespmem:v25+s3+$0x0], $0xffff  }
0xf0: {  	vm0 =	vgt.s32 v21, $0x13  }
0xf1: {  	v23 =	vand.u32 $0x7F, v15;
	v20 =	vand.u32 $0x7F, v20;
	v19 =	vshll.u32 v19, $0x7  }
0xf2: {  	v47 =	vand.u32 $0xFFFFFF80, v15;
	v17 =	vand.u32 $0x1F, v17;
	v26 =	vshll.u32 v18, $0x7  }
0xf3: {  	v16 =	vadd.s32 v16, v18;
	v21 =	vsel vm0, v22, v21;
	v24 =	vsel vm0, $0x1, v0  }
0xf4: {  	v15 =	vadd.s32 v47, v26;
	v8 =	vadd.s32 v8, v19;
	v22 =	vadd.s32 $0x10, v21  }
0xf5: {  	v25 =	vadd.s32 $0xFFFFFFFC, v21;
	v24 =	vadd.s32 v24, v16;
	v15 =	vor.u32 v23, v15  }
0xf6: {  	v16 =	vshll.u32 v16, $0x7;
	v56 =	vand.u32 $0xFFFFFF80, v21;
	v5 =	vor.u32 v5, v8  }
0xf7: {  	v60 =	vand.u32 $0x7F, v21;
	vm13 =	vgt.s32 v22, $0x13;
	v7 =	vadd.s32 v7, v16  }
0xf8: {  	v59 =	vshll.u32 v24, $0x7;
	v22 =	vsel vm13, v25, v22;
	v48 =	vsel vm13, $0x1, v0  }
0xf9: {  	v58 =	vld.idx.msk [tilespmem:v12+s10+$0x0], $0xffff;
	v7 =	vor.u32 v20, v7;
	v12 =	vadd.s32 v56, v59;
	v25 =	vadd.s32 $0x10, v22  }
0xfa: {  	v49 =	vadd.s32 $0xFFFFFFFC, v22;
	v18 =	vadd.s32 v48, v24;
	vm14 =	vgt.s32 v25, $0x13  }
0xfb: {  	v55 =	vand.u32 $0xFFFFFF80, v22;
	v22 =	vand.u32 $0x7F, v22;
	v25 =	vsel vm14, v49, v25  }
0xfc: {  	v12 =	vor.u32 v60, v12;
	v50 =	vsel vm14, $0x1, v0;
	v51 =	vadd.s32 $0x10, v25  }
0xfd: {  	v52 =	vadd.s32 $0xFFFFFFFC, v25;
	v26 =	vadd.s32 v50, v18;
	v54 =	vand.u32 $0xFFFFFF80, v25  }
0xfe: {  	v25 =	vand.u32 $0x7F, v25;
	v18 =	vshll.u32 v18, $0x7;
	vm15 =	vgt.s32 v51, $0x13  }
0xff: {  	v13 =	vld.idx.msk [tilespmem:v13+s10+$0x0], $0xffff;
	v18 =	vadd.s32 v55, v18;
	v19 =	vsel vm15, v52, v51;
	v53 =	vsel vm15, $0x1, v0  }
0x100: {  	v14 =	vld.idx.msk [tilespmem:v14+s10+$0x0], $0xffff;
	v18 =	vor.u32 v22, v18;
	v23 =	vadd.s32 v53, v26;
	v26 =	vshll.u32 v26, $0x7  }
0x101: {  	v17 =	vld.idx.msk [tilespmem:v17+s10+$0x0], $0xffff;
	v57 =	vand.u32 $0xFFFFFF80, v19;
	v16 =	vadd.s32 v54, v26;
	v23 =	vshll.u32 v23, $0x7  }
0x102: {  	v15 =	vld.idx.msk [tilespmem:v15+s3+$0x0], $0xffff;
	v19 =	vand.u32 $0x7F, v19;
	v16 =	vor.u32 v25, v16;
	v23 =	vadd.s32 v57, v23  }
0x103: {  	v5 =	vld.idx.msk [tilespmem:v5+s3+$0x0], $0xffff;
	v19 =	vor.u32 v19, v23  }
0x104: {  	v9 =	vand.u32 $0x1F, v9;
	v7 =	vld.idx.msk [tilespmem:v7+s3+$0x0], $0xffff  }
0x105: {  	v11 =	vand.u32 $0x1F, v11;
	v12 =	vld.idx.msk [tilespmem:v12+s3+$0x0], $0xffff  }
0x106: {  	v10 =	vand.u32 $0x1F, v10;
	v18 =	vld.idx.msk [tilespmem:v18+s3+$0x0], $0xffff  }
0x107: {  	v15 =	vand.u32 $0x1F, v15;
	v16 =	vld.idx.msk [tilespmem:v16+s3+$0x0], $0xffff  }
0x108: {  	v5 =	vand.u32 $0x1F, v5;
	v19 =	vld.idx.msk [tilespmem:v19+s3+$0x0], $0xffff  }
0x109: {  	v9 =	vld.idx.msk [tilespmem:v9+s10+$0x0], $0xffff;
	v7 =	vand.u32 $0x1F, v7  }
0x10a: {  	v11 =	vld.idx.msk [tilespmem:v11+s10+$0x0], $0xffff;
	v12 =	vand.u32 $0x1F, v12  }
0x10b: {  	v10 =	vld.idx.msk [tilespmem:v10+s10+$0x0], $0xffff;
	v18 =	vand.u32 $0x1F, v18  }
0x10c: {  	v15 =	vld.idx.msk [tilespmem:v15+s10+$0x0], $0xffff;
	v16 =	vand.u32 $0x1F, v16  }
0x10d: {  	v5 =	vld.idx.msk [tilespmem:v5+s10+$0x0], $0xffff;
	v19 =	vand.u32 $0x1F, v19  }
0x10e: {  	v7 =	vld.idx.msk [tilespmem:v7+s10+$0x0], $0xffff  }
0x10f: {  	v63 =	vld.idx.msk [tilespmem:v12+s10+$0x0], $0xffff  }
0x110: {  	v4 =	vadd.f32 v17, v4;
	v62 =	vld.idx.msk [tilespmem:v18+s10+$0x0], $0xffff  }
0x111: {  	v1 =	vadd.f32 v6, v1;
	v3 =	vadd.f32 v13, v3;
	v16 =	vld.idx.msk [tilespmem:v16+s10+$0x0], $0xffff  }
0x112: {  	v4 =	vadd.f32 v11, v4;
	v2 =	vadd.f32 v10, v2;
	v61 =	vld.idx.msk [tilespmem:v19+s10+$0x0], $0xffff  }
0x113: {  	v1 =	vadd.f32 v14, v1;
	v3 =	vadd.f32 v58, v3  }
0x114: {  	v2 =	vadd.f32 v9, v2;
	v4 =	vadd.f32 v5, v4  }
0x115: {  	v1 =	vadd.f32 v15, v1;
	v3 =	vadd.f32 v7, v3  }
0x116: {  	v2 =	vadd.f32 v63, v2;
	v4 =	vadd.f32 v62, v4  }
0x117: {  	v1 =	vadd.f32 v16, v1;
	v3 =	vadd.f32 v61, v3;
	_ =	sdelay $0x1  }
0x118: {  	v2 =	vadd.f32 v4, v2;
	v1 =	vadd.f32 v3, v1;
	_ =	sdelay $0x1  }
0x119: {  	s13 =	sadd.s32 $0x1, s13;
	v1 =	vadd.f32 v1, v2  }
0x11a: {  	p0 =	sne.s32 s13, s6  }
.Ltmp1:
0x11b: {  	[tilespmem:$0x5080] =	vst v1;
	(pc) =	sbr.rel @p0 .LBB2_1-.Ltmp1, $4  }
0x11c: {  	[hbm4b:s5+s3] =	stream.linear.scatter [tilespmem:s11], [sflag:$0x3], $0x80, $0x38;
	[tilespmem:$0x5100] =	vst v63  }
0x11d: {  	_ =	swait.ge [sflag:s12], $0x80  }
0x11e: {  	[sflag:s12] =	ssyncset.done $0x0  }
0x11f: {  	[sflag:s12] =	ssyncadd.s32 $0xFFFFFF80  }
0x120: {  	_ =	sfence.sel $0x180000  }
0x121: {  	[bflag:$0x0] =	sbarrier.arrive $0xFFFF  }
0x122: {  	p0 =	sne.s32 s1, $0x0;
	_ =	strace $0x90000047  }
0x123: {  	s0 =	sadd.s32 @!p0 $0x100000, s0;
	[bflag:$0x2] =	sbarrier.arrive $0xFFFF  }
0x124: {  	[sflag:s0] =	ssyncadd.tile.s32 @!p0 $0x1;
	_ =	shalt  }
.Lfunc_end2:
_tile_overlayer_lowered:
.L_overlay_start_2:
0x125: {  	(tag) =	ssettag $0x2  }
0x126: {  	s0 =	rddreg [dreg:$0x0];
	s2 =	stileid.u32  }
0x127: {  	s1 =	rddreg [dreg:$0x1];
	p0 =	sne.s32 s2, $0x0  }
0x128: {  	s3 =	rddreg [dreg:$0x2];
	[bflag:$0x3] =	sbarrier.arrive $0xFFFF;
	s2 =	simm.s32 @!p0 $0x1C03  }
0x129: {  	[timem:s3], [sflag:s2] =	dma.local @!p0 [hbm:s0], s1  }
0x12a: {  	s0 =	simm.s32 @!p0 $0x3  }
0x12b: {  	_ =	swait.ge @!p0 [sflag:s0], s1  }
0x12c: {  	s1 =	ssub.s32 @!p0 $0x0, s1;
	[sflag:s0] =	ssyncset.done @!p0 $0x0  }
0x12d: {  	[sflag:s0] =	ssyncadd.s32 @!p0 s1  }
0x12e: {  	[bflag:$0x3] =	sbarrier.arrive $0xFFFF  }
0x12f: {  	_ =	shalt  }

</sc_bundles>
